<compile_context>
chip_gen: v7x
topology: tpu7x:2x2x1
jax: 0.10.2.dev20260603
libtpu: 0.0.44.dev20260713+nightly
codegen_flags: <defaults>
</compile_context>

<pallas_src>
import dataclasses

import jax
import jax.numpy as jnp
from jax import lax
from jax.experimental import pallas as pl
from jax.experimental.pallas import tpu as pltpu
from jax.experimental.pallas import tpu_sc as plsc

_N = 10000
_D = 128
_A = 64
_R = 2
_E = 160000
_TOPK = 10

_NUM_SC = 2
_NUM_TILES = 16
_LANES = 16

_vec_mesh = plsc.VectorSubcoreMesh(core_axis_name="c", subcore_axis_name="s")

_sc_params = pltpu.CompilerParams()
if "needs_layout_passes" in pltpu.CompilerParams.__dataclass_fields__:
    _sc_params = dataclasses.replace(_sc_params, needs_layout_passes=False)

_DEG_PART = _E // 8
_DEG_CHUNK = 2000


def _deg_body(idx_hbm, out_hbm, deg_v, idxbuf_v):
    c = lax.axis_index("c")
    s = lax.axis_index("s")
    w = c * _NUM_TILES + s
    lst = w // 8
    part = w % 8

    @pl.loop(0, _N, step=_LANES)
    def _zero(i):
        deg_v[pl.ds(i, _LANES)] = jnp.zeros((_LANES,), jnp.float32)

    ones = jnp.ones((_LANES,), jnp.float32)

    @pl.loop(0, _DEG_PART, step=_DEG_CHUNK)
    def _chunk(cb):
        base = pl.multiple_of(lst * _E + part * _DEG_PART + cb, 8)
        pltpu.sync_copy(idx_hbm.at[pl.ds(base, _DEG_CHUNK)], idxbuf_v)

        @pl.loop(0, _DEG_CHUNK, step=_LANES)
        def _grp(gi):
            iv = idxbuf_v[pl.ds(gi, _LANES)]
            plsc.addupdate_scatter(deg_v, [iv], ones)

    pltpu.sync_copy(deg_v, out_hbm.at[w, 0])


def _degrees(idx_flat):
    return pl.kernel(
        _deg_body,
        out_type=jax.ShapeDtypeStruct((4 * 8, 1, _N), jnp.float32),
        mesh=_vec_mesh,
        compiler_params=_sc_params,
        scratch_types=[
            pltpu.VMEM((_N,), jnp.float32),
            pltpu.VMEM((_DEG_CHUNK,), jnp.int32),
        ],
    )(idx_flat)


def _bf16dot(a, b):
    return lax.dot_general(a.astype(jnp.bfloat16), b.astype(jnp.bfloat16),
                           (((1,), (0,)), ((), ())),
                           preferred_element_type=jnp.float32)


def _feat_body(x_ref, parts_ref, feat_ref, ndst_ref):
    parts = parts_ref[...]
    row = lax.broadcasted_iota(jnp.int32, (32, 4), 0) // 8
    col = lax.broadcasted_iota(jnp.int32, (32, 4), 1)
    sel = (row == col).astype(jnp.float32)
    degmat = lax.dot_general(parts, sel, (((0,), (0,)), ((), ())),
                             precision=lax.Precision.HIGHEST,
                             preferred_element_type=jnp.float32)
    norms = jnp.where(degmat > 0, lax.rsqrt(degmat), 0.0)
    xv = x_ref[...]
    feat_ref[0:_N, :] = xv * norms[:, 0:1]
    feat_ref[_N:2 * _N, :] = xv * norms[:, 2:3]
    ndst_ref[...] = jnp.concatenate([norms[:, 1:2], norms[:, 3:4]], axis=1)


def _feat(x, parts):
    return pl.pallas_call(
        _feat_body,
        out_shape=[
            jax.ShapeDtypeStruct((_R * _N, _D), jnp.float32),
            jax.ShapeDtypeStruct((_N, _R), jnp.float32),
        ],
    )(x, parts)


_CHUNK = 128
_NCHUNK = _E // _CHUNK
_ITERS = (_NCHUNK + _NUM_TILES - 1) // _NUM_TILES
_SLAB = 632
_NPAD = _SLAB * _NUM_TILES


def _agg_body(feat_hbm, idx_hbm, out_hbm, rows_v, srcbuf_v, dstbuf_v, acc_sh):
    c = lax.axis_index("c")
    s = lax.axis_index("s")

    @pl.loop(0, _CHUNK)
    def _zr(r):
        for k in range(_D // _LANES):
            rows_v[r, pl.ds(k * _LANES, _LANES)] = jnp.zeros((_LANES,),
                                                             jnp.float32)

    row0 = pl.multiple_of(s * _SLAB, 8)
    for j in range(_SLAB // _CHUNK):
        pltpu.sync_copy(rows_v, acc_sh.at[pl.ds(row0 + j * _CHUNK, _CHUNK)])
    rem = _SLAB % _CHUNK
    if rem:
        pltpu.sync_copy(
            rows_v.at[pl.ds(0, rem)],
            acc_sh.at[pl.ds(row0 + (_SLAB // _CHUNK) * _CHUNK, rem)])
    plsc.subcore_barrier()

    noff = c * _N
    w = c * _NUM_TILES + s

    @pl.loop(0, _ITERS)
    def _it(i):
        cid = i * _NUM_TILES + s

        @pl.when(cid < _NCHUNK)
        def _():
            sbase = pl.multiple_of(2 * c * _E + cid * _CHUNK, 8)
            dbase = pl.multiple_of((2 * c + 1) * _E + cid * _CHUNK, 8)
            pltpu.sync_copy(idx_hbm.at[pl.ds(sbase, _CHUNK)], srcbuf_v)
            pltpu.sync_copy(idx_hbm.at[pl.ds(dbase, _CHUNK)], dstbuf_v)
            for k in range(_CHUNK // _LANES):
                sl = pl.ds(k * _LANES, _LANES)
                srcbuf_v[sl] = srcbuf_v[sl] + noff
            pltpu.sync_copy(feat_hbm.at[srcbuf_v], rows_v)
            pltpu.sync_copy(rows_v, acc_sh.at[dstbuf_v], add=True)

    plsc.subcore_barrier()
    pltpu.sync_copy(acc_sh.at[pl.ds(row0, _SLAB)], out_hbm.at[w])


def _aggregate(feat, idx_flat):
    return pl.kernel(
        _agg_body,
        out_type=jax.ShapeDtypeStruct((_R * _NUM_TILES, _SLAB, _D),
                                      jnp.float32),
        mesh=_vec_mesh,
        scratch_types=[
            pltpu.VMEM((_CHUNK, _D), jnp.float32),
            pltpu.VMEM((_CHUNK,), jnp.int32),
            pltpu.VMEM((_CHUNK,), jnp.int32),
            pltpu.VMEM_SHARED((_NPAD, _D), jnp.float32),
        ],
    )(feat, idx_flat)


_BLK = 1000


def _lane_sum128(v):
    g = v[:, 0:8]
    for k in range(1, 16):
        g = g + v[:, 8 * k:8 * (k + 1)]
    s04 = g[:, 0:1] + g[:, 4:5]
    s26 = g[:, 2:3] + g[:, 6:7]
    s15 = g[:, 1:2] + g[:, 5:6]
    s37 = g[:, 3:4] + g[:, 7:8]
    return (s04 + s26) + (s15 + s37)


def _gconv_body(agg_ref, ndst_ref, w_ref, b_ref, rst_ref):
    nd = ndst_ref[...]
    w = w_ref[...]
    b = b_ref[...]
    for r in range(_R):
        rst_ref[r] = _bf16dot(agg_ref[r] * nd[:, r:r + 1], w) + b


def _gconv(agg3, ndst, W_gcn, b_gcn):
    nblk = _N // _BLK
    return pl.pallas_call(
        _gconv_body,
        grid=(nblk,),
        in_specs=[
            pl.BlockSpec((_R, _BLK, _D), lambda i: (0, i, 0)),
            pl.BlockSpec((_BLK, _R), lambda i: (i, 0)),
            pl.BlockSpec((_D, _D), lambda i: (0, 0)),
            pl.BlockSpec((_D,), lambda i: (0,)),
        ],
        out_specs=[pl.BlockSpec((_R, _BLK, _D), lambda i: (0, i, 0))],
        out_shape=[jax.ShapeDtypeStruct((_R, _N, _D), jnp.float32)],
    )(agg3, ndst, W_gcn, b_gcn)[0]


def _node_body(h_ref, g_ref, be_ref, ws1_ref, ws2_ref, gw_ref, gb_ref,
               hcomb_ref, gate_ref):
    gamma = g_ref[...]
    beta = be_ref[...]
    hs = []
    logits = []
    for r in range(_R):
        v = h_ref[r]
        mu = _lane_sum128(v) * (1.0 / _D)
        dvi = v - mu
        var = _lane_sum128(dvi * dvi) * (1.0 / _D)
        ve = var + 1e-5
        y = lax.rsqrt(ve)
        y = y * (1.5 - 0.5 * ve * y * y)
        h = (dvi * y) * gamma + beta
        hs.append(h)
        sv = _bf16dot(h, ws1_ref[r])
        sv = 1.0 / (1.0 + jnp.exp(-sv))
        logits.append(_bf16dot(sv, ws2_ref[r]))
    m = jnp.maximum(logits[0], logits[1])
    e0 = jnp.exp(logits[0] - m)
    e1 = jnp.exp(logits[1] - m)
    rden = 1.0 / (e0 + e1)
    hc = (e0 * rden) * hs[0] + (e1 * rden) * hs[1]
    hcomb_ref[...] = hc
    gate_ref[...] = _bf16dot(hc, gw_ref[...]) + gb_ref[...]


def _node_epilogue(h_elu, ln_gamma, ln_beta, Ws1, Ws2, gate_W, gate_b):
    nblk = _N // _BLK
    return pl.pallas_call(
        _node_body,
        grid=(nblk,),
        in_specs=[
            pl.BlockSpec((_R, _BLK, _D), lambda i: (0, i, 0)),
            pl.BlockSpec((_D,), lambda i: (0,)),
            pl.BlockSpec((_D,), lambda i: (0,)),
            pl.BlockSpec((_R, _D, _A), lambda i: (0, 0, 0)),
            pl.BlockSpec((_R, _A, 1), lambda i: (0, 0, 0)),
            pl.BlockSpec((_D, 1), lambda i: (0, 0)),
            pl.BlockSpec((1,), lambda i: (0,)),
        ],
        out_specs=[
            pl.BlockSpec((_BLK, _D), lambda i: (i, 0)),
            pl.BlockSpec((_BLK, 1), lambda i: (i, 0)),
        ],
        out_shape=[
            jax.ShapeDtypeStruct((_N, _D), jnp.float32),
            jax.ShapeDtypeStruct((_N, 1), jnp.float32),
        ],
    )(h_elu, ln_gamma, ln_beta, Ws1, Ws2, gate_W, gate_b)


_PBLK = 2000
_NPB = _N // _PBLK


def _pool_block_body(hc_ref, g_ref, gt_ref, bmax_ref, esum_ref, pgx_ref):
    g = g_ref[...]
    gt = jnp.transpose(g)
    gt_ref[...] = gt.reshape(1, 1, _PBLK)
    bm = jnp.max(gt)
    e = jnp.exp(g - bm)
    es = jnp.sum(e)
    pgx = jnp.sum(e * hc_ref[...], axis=0)
    bmax_ref[...] = jnp.reshape(bm, (1, 1, 1))
    esum_ref[...] = jnp.reshape(es, (1, 1, 1))
    pgx_ref[...] = pgx.reshape(1, 1, _D)


def _pool_blocks(h_comb, g):
    return pl.pallas_call(
        _pool_block_body,
        grid=(_NPB,),
        in_specs=[
            pl.BlockSpec((_PBLK, _D), lambda i: (i, 0)),
            pl.BlockSpec((_PBLK, 1), lambda i: (i, 0)),
        ],
        out_specs=[
            pl.BlockSpec((1, 1, _PBLK), lambda i: (i, 0, 0)),
            pl.BlockSpec((1, 1, 1), lambda i: (i, 0, 0)),
            pl.BlockSpec((1, 1, 1), lambda i: (i, 0, 0)),
            pl.BlockSpec((1, 1, _D), lambda i: (i, 0, 0)),
        ],
        out_shape=[
            jax.ShapeDtypeStruct((_NPB, 1, _PBLK), jnp.float32),
            jax.ShapeDtypeStruct((_NPB, 1, 1), jnp.float32),
            jax.ShapeDtypeStruct((_NPB, 1, 1), jnp.float32),
            jax.ShapeDtypeStruct((_NPB, 1, _D), jnp.float32),
        ],
    )(h_comb, g)


def _pool_merge_body(gt_ref, bmax_ref, esum_ref, pgx_ref, w1_ref, b1_ref,
                     w2_ref, b2_ref, logit_ref, topw_ref, topi_ref):
    g2 = gt_ref[...].reshape(_NPB, _PBLK)
    bm = bmax_ref[...].reshape(_NPB, 1)
    es = esum_ref[...].reshape(_NPB, 1)
    m = jnp.max(bm)
    scale = jnp.exp(bm - m)
    rz = 1.0 / jnp.sum(es * scale)
    pg = pgx_ref[...].reshape(_NPB, _D)
    gx = jnp.sum(pg * scale, axis=0) * rz
    rf = _bf16dot(gx[None, :], w1_ref[...]) + b1_ref[...]
    rf = jnp.maximum(rf, 0.0)
    logit_ref[...] = _bf16dot(rf, w2_ref[...]) + b2_ref[...]

    row = lax.broadcasted_iota(jnp.int32, (_NPB, _PBLK), 0)
    col = lax.broadcasted_iota(jnp.int32, (_NPB, _PBLK), 1)
    ids = row * _PBLK + col
    kpos = lax.broadcasted_iota(jnp.int32, (1, _TOPK), 1)
    tw = jnp.zeros((1, _TOPK), jnp.float32)
    ti = jnp.zeros((1, _TOPK), jnp.int32)
    wts = jnp.exp(g2 - m) * rz
    for k in range(_TOPK):
        mk = jnp.max(wts)
        ik = jnp.min(jnp.where(wts == mk, ids, _N))
        tw = jnp.where(kpos == k, mk, tw)
        ti = jnp.where(kpos == k, ik, ti)
        wts = jnp.where(ids == ik, -jnp.inf, wts)
    topw_ref[...] = tw
    topi_ref[...] = ti


def _pool_head(h_comb, g, cls_W1, cls_b1, cls_W2, cls_b2):
    gt, bmax, esum, pgx = _pool_blocks(h_comb, g)
    return pl.pallas_call(
        _pool_merge_body,
        out_shape=[
            jax.ShapeDtypeStruct((1, 1), jnp.float32),
            jax.ShapeDtypeStruct((1, _TOPK), jnp.float32),
            jax.ShapeDtypeStruct((1, _TOPK), jnp.int32),
        ],
    )(gt, bmax, esum, pgx, cls_W1, cls_b1, cls_W2, cls_b2)


def kernel(x, edge_index, W_gcn, b_gcn, ln_gamma, ln_beta, Ws1, Ws2, gate_W,
           gate_b, cls_W1, cls_b1, cls_W2, cls_b2):
    idx_flat = edge_index.astype(jnp.int32).reshape(4 * _E)
    parts = _degrees(idx_flat)
    feat, ndst = _feat(x, parts.reshape(4 * 8, _N))
    slabs = _aggregate(feat, idx_flat)
    agg3 = slabs.reshape(_R, _NUM_TILES * _SLAB, _D)[:, :_N, :]
    rst = _gconv(agg3, ndst, W_gcn, b_gcn)
    h_elu = jnp.where(rst > 0, rst,
                      jnp.expm1(jnp.where(rst > 0, 0.0, rst)))
    h_comb, g = _node_epilogue(h_elu, ln_gamma, ln_beta, Ws1, Ws2,
                               gate_W, gate_b)
    logit, topw, topi = _pool_head(h_comb, g, cls_W1, cls_b1, cls_W2, cls_b2)
    return (logit.reshape(1), topw.reshape(_TOPK), topi.reshape(_TOPK))

# --- scband reference (transcript-rebuilt; emitter-appended) ---
"""Pipeline reference for scband-graph-classifier-9225589752124 (READ-ONLY COPY).

The authoritative reference and input builder live on the scoring server;
editing this copy changes nothing except your own understanding.
"""

import jax, jax.numpy as jnp
import numpy as np

N = 10000
D = 128
A = 64
R = 2
E = 160000
TOPK = 10


def setup_inputs(seed: int = 0) -> dict:
    key = jax.random.key(seed)
    ks = jax.random.split(key, 16)
    x = jax.random.normal(ks[0], (N, D), dtype=jnp.float32)
    edge_index = jax.random.randint(ks[1], (R, 2, E), 0, N, dtype=jnp.int64)
    # learned params
    W_gcn = jax.random.normal(ks[2], (D, D), dtype=jnp.float32) * (1.0 / np.sqrt(D))
    b_gcn = jnp.zeros((D,), dtype=jnp.float32)
    ln_gamma = jnp.ones((D,), dtype=jnp.float32)
    ln_beta = jnp.zeros((D,), dtype=jnp.float32)
    Ws1 = jax.random.normal(ks[3], (R, D, A), dtype=jnp.float32) * (1.0 / np.sqrt(D))
    Ws2 = jax.random.normal(ks[4], (R, A, 1), dtype=jnp.float32) * (1.0 / np.sqrt(A))
    gate_W = jax.random.normal(ks[5], (D, 1), dtype=jnp.float32) * (1.0 / np.sqrt(D))
    gate_b = jnp.zeros((1,), dtype=jnp.float32)
    cls_W1 = jax.random.normal(ks[6], (D, D), dtype=jnp.float32) * (1.0 / np.sqrt(D))
    cls_b1 = jnp.zeros((D,), dtype=jnp.float32)
    cls_W2 = jax.random.normal(ks[7], (D, 1), dtype=jnp.float32) * (1.0 / np.sqrt(D))
    cls_b2 = jnp.zeros((1,), dtype=jnp.float32)
    return {"x": x, "edge_index": edge_index, "W_gcn": W_gcn, "b_gcn": b_gcn,
            "ln_gamma": ln_gamma, "ln_beta": ln_beta, "Ws1": Ws1, "Ws2": Ws2,
            "gate_W": gate_W, "gate_b": gate_b, "cls_W1": cls_W1, "cls_b1": cls_b1,
            "cls_W2": cls_W2, "cls_b2": cls_b2}


def _graph_conv(x, src, dst, W, b):
    # DGL GraphConv with norm='both', allow_zero_in_degree=True
    ones = jnp.ones((src.shape[0],), dtype=jnp.float32)
    deg_out = jax.ops.segment_sum(ones, src, num_segments=N)
    deg_in = jax.ops.segment_sum(ones, dst, num_segments=N)
    norm_src = jnp.where(deg_out > 0, deg_out ** -0.5, 0.0)
    norm_dst = jnp.where(deg_in > 0, deg_in ** -0.5, 0.0)
    feat = x * norm_src[:, None]
    msg = jnp.take(feat, src, axis=0)            # gather  [E, D]
    agg = jax.ops.segment_sum(msg, dst, num_segments=N)  # scatter-add [N, D]
    rst = agg * norm_dst[:, None]
    rst = rst @ W + b
    return jax.nn.elu(rst)


def reference(x, edge_index, W_gcn, b_gcn, ln_gamma, ln_beta, Ws1, Ws2,
              gate_W, gate_b, cls_W1, cls_b1, cls_W2, cls_b2):
    # MuxGNNLayer: shared GraphConv over each relation graph
    hs = []
    for r in range(R):
        src = edge_index[r, 0]
        dst = edge_index[r, 1]
        hs.append(_graph_conv(x, src, dst, W_gcn, b_gcn))
    h = jnp.stack(hs, axis=0)                     # [R, N, D]
    # LayerNorm over feature dim (elementwise affine)
    mean = jnp.mean(h, axis=-1, keepdims=True)
    var = jnp.var(h, axis=-1, keepdims=True)
    h = (h - mean) / jnp.sqrt(var + 1e-5)
    h = h * ln_gamma + ln_beta
    # SemanticAttentionBatched (Is_attention=True, dropout=0)
    s = jax.nn.sigmoid(jnp.einsum('rnd,rda->rna', h, Ws1))  # [R, N, A]
    att_logits = jnp.einsum('rna,rao->rno', s, Ws2)[..., 0]  # [R, N]
    attn = jax.nn.softmax(att_logits, axis=0)                # softmax over relations
    h_comb = jnp.einsum('rn,rnd->nd', attn, h)               # [N, D]
    # GlobalAttentionPooling with gate_nn
    gate = h_comb @ gate_W + gate_b                          # [N, 1]
    a = jax.nn.softmax(gate, axis=0)                         # softmax over nodes
    graph_x = jnp.sum(a * h_comb, axis=0)                    # [D]
    # BinaryClassifier head
    relu_features = jax.nn.relu(graph_x @ cls_W1 + cls_b1)
    logit = relu_features @ cls_W2 + cls_b2                  # [1]
    top_k_weights, top_k_indices = jax.lax.top_k(a[:, 0], TOPK)
    return (logit, top_k_weights, top_k_indices)

if __name__ == "__main__":
    import jax
    _d = setup_inputs()
    print(jax.jit(kernel)(*tuple(_d.values())))

</pallas_src>

<mosaic_0001>
#map = affine_map<(d0, d1) -> (0)>
#map1 = affine_map<(d0, d1) -> (0, 0, 0)>
module attributes {stable_mosaic.version = 14 : i64} {
  func.func @_deg_body(%arg0: i32, %arg1: i32, %arg2: memref<640000xi32, #tpu.memory_space<hbm>>, %arg3: memref<32x1x10000xf32, #tpu.memory_space<hbm>>, %arg4: memref<10000xf32, #tpu.memory_space<vmem>>, %arg5: memref<2000xi32, #tpu.memory_space<vmem>>) attributes {dimension_semantics = [#tpu.dimension_semantics<core_parallel>, #tpu.dimension_semantics<subcore_parallel>], iteration_bounds = array<i64: 2, 16>, scalar_prefetch = 0 : i64, scratch_operands = 2 : i64, tpu.core_type = #tpu.core_type<sc_vector_subcore>, window_params = [{transform_indices = #map}, {transform_indices = #map1}]} {
    %mul3A = arith.constant 16 : i32
    %mul3A_0 = arith.muli %arg0, %mul3A : i32
    %add3A = arith.addi %mul3A_0, %arg1 : i32
    %jit3A = arith.constant 8 : i32
    %div3A = arith.divsi %add3A, %jit3A : i32
    %sign3A = arith.constant 0 : i32
    %sign3A_1 = arith.cmpi sgt, %add3A, %sign3A : i32
    %sign3A_2 = arith.extui %sign3A_1 : i1 to i32
    %sign3A_3 = arith.constant 0 : i32
    %sign3A_4 = arith.cmpi slt, %add3A, %sign3A_3 : i32
    %sign3A_5 = arith.extui %sign3A_4 : i1 to i32
    %sign3A_6 = arith.subi %sign3A_2, %sign3A_5 : i32
    %sign3A_7 = arith.constant 0 : i32
    %sign3A_8 = arith.cmpi sgt, %jit3A, %sign3A_7 : i32
    %sign3A_9 = arith.extui %sign3A_8 : i1 to i32
    %sign3A_10 = arith.constant 0 : i32
    %sign3A_11 = arith.cmpi slt, %jit3A, %sign3A_10 : i32
    %sign3A_12 = arith.extui %sign3A_11 : i1 to i32
    %sign3A_13 = arith.subi %sign3A_9, %sign3A_12 : i32
    %ne3A = arith.cmpi ne, %sign3A_6, %sign3A_13 : i32
    %rem3A = arith.remsi %add3A, %jit3A : i32
    %ne3A_14 = arith.constant 0 : i32
    %ne3A_15 = arith.cmpi ne, %rem3A, %ne3A_14 : i32
    %and3A = arith.andi %ne3A, %ne3A_15 : i1
    %sub3A = arith.constant 1 : i32
    %sub3A_16 = arith.subi %div3A, %sub3A : i32
    %select_n3A = arith.select %and3A, %sub3A_16, %div3A : i32
    %jit3A_17 = arith.constant 8 : i32
    %eq3A = arith.constant 0 : i32
    %eq3A_18 = arith.cmpi eq, %jit3A_17, %eq3A : i32
    %jit3A_19 = arith.constant 1 : i32
    %select_n3A_20 = arith.select %eq3A_18, %jit3A_19, %jit3A_17 : i32
    %rem3A_21 = arith.remsi %add3A, %select_n3A_20 : i32
    %ne3A_22 = arith.constant 0 : i32
    %ne3A_23 = arith.cmpi ne, %rem3A_21, %ne3A_22 : i32
    %lt3A = arith.constant 0 : i32
    %lt3A_24 = arith.cmpi slt, %rem3A_21, %lt3A : i32
    %lt3A_25 = arith.constant 0 : i32
    %lt3A_26 = arith.cmpi slt, %select_n3A_20, %lt3A_25 : i32
    %ne3A_27 = arith.xori %lt3A_24, %lt3A_26 : i1
    %and3A_28 = arith.andi %ne3A_27, %ne3A_23 : i1
    %add3A_29 = arith.addi %rem3A_21, %select_n3A_20 : i32
    %select_n3A_30 = arith.select %and3A_28, %add3A_29, %rem3A_21 : i32
    %scan3A = arith.constant 0 : i32
    %scan3A_31 = arith.constant 625 : i32
    %scan3A_32 = arith.addi %scan3A, %scan3A_31 : i32
    %scan3A_33 = arith.constant 1 : i32
    scf.for %scan3A_41 = %scan3A to %scan3A_32 step %scan3A_33  : i32 {
      %mul3A_42 = arith.constant 16 : i32
      %mul3A_43 = arith.muli %scan3A_41, %mul3A_42 : i32
      %add3A_44 = arith.constant 0 : i32
      %add3A_45 = arith.addi %add3A_44, %mul3A_43 : i32
      %broadcast_in_dim3A_46 = arith.constant 0.000000e+00 : f32
      %broadcast_in_dim3A_47 = vector.broadcast %broadcast_in_dim3A_46 : f32 to vector<16xf32>
      %swap3A = arith.index_cast %add3A_45 : i32 to index
      %swap3A_48 = tpu.vector_load %arg4[%swap3A] {strides = array<i32>} : memref<10000xf32, #tpu.memory_space<vmem>>, vector<16xf32>,
      tpu.vector_store %arg4[%swap3A], %broadcast_in_dim3A_47 {strides = array<i32>} : memref<10000xf32, #tpu.memory_space<vmem>>, vector<16xf32>,
    }
    %scan3A_34 = arith.constant 625 : i32
    %broadcast_in_dim3A = arith.constant 1.000000e+00 : f32
    %broadcast_in_dim3A_35 = vector.broadcast %broadcast_in_dim3A : f32 to vector<16xf32>
    %scan3A_36 = arith.constant 0 : i32
    %scan3A_37 = arith.constant 10 : i32
    %scan3A_38 = arith.addi %scan3A_36, %scan3A_37 : i32
    %scan3A_39 = arith.constant 1 : i32
    scf.for %scan3A_41 = %scan3A_36 to %scan3A_38 step %scan3A_39  : i32 {
      %mul3A_42 = arith.constant 2000 : i32
      %mul3A_43 = arith.muli %scan3A_41, %mul3A_42 : i32
      %add3A_44 = arith.constant 0 : i32
      %add3A_45 = arith.addi %add3A_44, %mul3A_43 : i32
      %mul3A_46 = arith.constant 160000 : i32
      %mul3A_47 = arith.muli %select_n3A, %mul3A_46 : i32
      %mul3A_48 = arith.constant 20000 : i32
      %mul3A_49 = arith.muli %select_n3A_30, %mul3A_48 : i32
      %add3A_50 = arith.addi %mul3A_47, %mul3A_49 : i32
      %add3A_51 = arith.addi %add3A_50, %add3A_45 : i32
      %multiple_of3A = tpu.assume_multiple %add3A_51, 8 : i32
      "tpu.region"() ({
        %run_scoped3A_57 = tpu.sem_alloc : memref<!tpu.dma_semaphore, #tpu.memory_space<semaphore_mem>>
        %dma_start3A = tpu.memref_slice %arg2[%multiple_of3A] : memref<640000xi32, #tpu.memory_space<hbm>> -> memref<2000xi32, #tpu.memory_space<hbm>>
        %dma_start3A_58 = tpu.memref_slice %arg2[%multiple_of3A] : memref<640000xi32, #tpu.memory_space<hbm>> -> memref<2000xi32, #tpu.memory_space<hbm>>
        tpu.enqueue_dma source(%dma_start3A_58 : memref<2000xi32, #tpu.memory_space<hbm>>) target(%arg5 : memref<2000xi32, #tpu.memory_space<vmem>>) target_semaphore(%run_scoped3A_57 : memref<!tpu.dma_semaphore, #tpu.memory_space<semaphore_mem>>)
        %dma_wait3A = tpu.memref_slice %arg2[%multiple_of3A] : memref<640000xi32, #tpu.memory_space<hbm>> -> memref<2000xi32, #tpu.memory_space<hbm>>
        %dma_wait3A_59 = tpu.memref_slice %arg2[%multiple_of3A] : memref<640000xi32, #tpu.memory_space<hbm>> -> memref<2000xi32, #tpu.memory_space<hbm>>
        tpu.wait_dma2 semaphore(%run_scoped3A_57 : memref<!tpu.dma_semaphore, #tpu.memory_space<semaphore_mem>>) src(%dma_wait3A_59 : memref<2000xi32, #tpu.memory_space<hbm>>) dst(%arg5 : memref<2000xi32, #tpu.memory_space<vmem>>)
        tpu.yield
      }) : () -> ()
      %scan3A_52 = arith.constant 0 : i32
      %scan3A_53 = arith.constant 125 : i32
      %scan3A_54 = arith.addi %scan3A_52, %scan3A_53 : i32
      %scan3A_55 = arith.constant 1 : i32
      scf.for %scan3A_57 = %scan3A_52 to %scan3A_54 step %scan3A_55  : i32 {
        %mul3A_58 = arith.constant 16 : i32
        %mul3A_59 = arith.muli %scan3A_57, %mul3A_58 : i32
        %add3A_60 = arith.constant 0 : i32
        %add3A_61 = arith.addi %add3A_60, %mul3A_59 : i32
        %get3A = arith.index_cast %add3A_61 : i32 to index
        %get3A_62 = tpu.vector_load %arg5[%get3A] {strides = array<i32>} : memref<2000xi32, #tpu.memory_space<vmem>>, vector<16xi32>,
        tpu.vector_store_idx %arg4[%get3A_62], %broadcast_in_dim3A_35 {add = true} : memref<10000xf32, #tpu.memory_space<vmem>>[vector<16xi32>], vector<16xf32>,
      }
      %scan3A_56 = arith.constant 125 : i32
    }
    %scan3A_40 = arith.constant 10 : i32
    %run_scoped3A = arith.constant 0 : i32
    "tpu.region"() ({
      %run_scoped3A_41 = tpu.sem_alloc : memref<!tpu.dma_semaphore, #tpu.memory_space<semaphore_mem>>
      %dma_start3A = arith.constant 0 : i32
      %dma_start3A_42 = tpu.memref_slice %arg3[%add3A, %run_scoped3A, %dma_start3A] : memref<32x1x10000xf32, #tpu.memory_space<hbm>> -> memref<1x1x10000xf32, #tpu.memory_space<hbm>>
      %dma_start3A_43 = tpu.memref_squeeze %dma_start3A_42 : memref<1x1x10000xf32, #tpu.memory_space<hbm>> -> memref<10000xf32, #tpu.memory_space<hbm>>
      %dma_start3A_44 = arith.constant 0 : i32
      %dma_start3A_45 = tpu.memref_slice %arg3[%add3A, %run_scoped3A, %dma_start3A_44] : memref<32x1x10000xf32, #tpu.memory_space<hbm>> -> memref<1x1x10000xf32, #tpu.memory_space<hbm>>
      %dma_start3A_46 = tpu.memref_squeeze %dma_start3A_45 : memref<1x1x10000xf32, #tpu.memory_space<hbm>> -> memref<10000xf32, #tpu.memory_space<hbm>>
      tpu.enqueue_dma source(%arg4 : memref<10000xf32, #tpu.memory_space<vmem>>) target(%dma_start3A_46 : memref<10000xf32, #tpu.memory_space<hbm>>) target_semaphore(%run_scoped3A_41 : memref<!tpu.dma_semaphore, #tpu.memory_space<semaphore_mem>>)
      %dma_wait3A = arith.constant 0 : i32
      %dma_wait3A_47 = tpu.memref_slice %arg3[%add3A, %run_scoped3A, %dma_wait3A] : memref<32x1x10000xf32, #tpu.memory_space<hbm>> -> memref<1x1x10000xf32, #tpu.memory_space<hbm>>
      %dma_wait3A_48 = tpu.memref_squeeze %dma_wait3A_47 : memref<1x1x10000xf32, #tpu.memory_space<hbm>> -> memref<10000xf32, #tpu.memory_space<hbm>>
      %dma_wait3A_49 = arith.constant 0 : i32
      %dma_wait3A_50 = tpu.memref_slice %arg3[%add3A, %run_scoped3A, %dma_wait3A_49] : memref<32x1x10000xf32, #tpu.memory_space<hbm>> -> memref<1x1x10000xf32, #tpu.memory_space<hbm>>
      %dma_wait3A_51 = tpu.memref_squeeze %dma_wait3A_50 : memref<1x1x10000xf32, #tpu.memory_space<hbm>> -> memref<10000xf32, #tpu.memory_space<hbm>>
      tpu.wait_dma2 semaphore(%run_scoped3A_41 : memref<!tpu.dma_semaphore, #tpu.memory_space<semaphore_mem>>) src(%arg4 : memref<10000xf32, #tpu.memory_space<vmem>>) dst(%dma_wait3A_51 : memref<10000xf32, #tpu.memory_space<hbm>>)
      tpu.yield
    }) : () -> ()
    return
  }
}

#map = affine_map<(d0, d1) -> (0, 0)>
#map1 = affine_map<(d0, d1) -> (0)>
#map2 = affine_map<(d0, d1) -> (0, 0, 0)>
module attributes {stable_mosaic.version = 14 : i64} {
  func.func @_agg_body(%arg0: i32, %arg1: i32, %arg2: memref<20000x128xf32, #tpu.memory_space<hbm>>, %arg3: memref<640000xi32, #tpu.memory_space<hbm>>, %arg4: memref<32x632x128xf32, #tpu.memory_space<hbm>>, %arg5: memref<128x128xf32, #tpu.memory_space<vmem>>, %arg6: memref<128xi32, #tpu.memory_space<vmem>>, %arg7: memref<128xi32, #tpu.memory_space<vmem>>, %arg8: memref<10112x128xf32, #tpu.memory_space<vmem_shared>>) attributes {dimension_semantics = [#tpu.dimension_semantics<core_parallel>, #tpu.dimension_semantics<subcore_parallel>], iteration_bounds = array<i64: 2, 16>, scalar_prefetch = 0 : i64, scratch_operands = 4 : i64, tpu.core_type = #tpu.core_type<sc_vector_subcore>, window_params = [{transform_indices = #map}, {transform_indices = #map1}, {transform_indices = #map2}]} {
    %scan3A = arith.constant 0 : i32
    %scan3A_0 = arith.constant 128 : i32
    %scan3A_1 = arith.addi %scan3A, %scan3A_0 : i32
    %scan3A_2 = arith.constant 1 : i32
    scf.for %scan3A_25 = %scan3A to %scan3A_1 step %scan3A_2  : i32 {
      %mul3A_26 = arith.constant 1 : i32
      %mul3A_27 = arith.muli %scan3A_25, %mul3A_26 : i32
      %add3A_28 = arith.constant 0 : i32
      %add3A_29 = arith.addi %add3A_28, %mul3A_27 : i32
      %broadcast_in_dim3A = arith.constant 0.000000e+00 : f32
      %broadcast_in_dim3A_30 = vector.broadcast %broadcast_in_dim3A : f32 to vector<16xf32>
      %swap3A = arith.index_cast %add3A_29 : i32 to index
      %swap3A_31 = arith.constant 0 : index
      %swap3A_32 = tpu.vector_load %arg5[%swap3A, %swap3A_31] {strides = array<i32>} : memref<128x128xf32, #tpu.memory_space<vmem>>, vector<1x16xf32>,
      %swap3A_33 = vector.shape_cast %swap3A_32 : vector<1x16xf32> to vector<16xf32>
      %swap3A_34 = vector.shape_cast %broadcast_in_dim3A_30 : vector<16xf32> to vector<1x16xf32>
      tpu.vector_store %arg5[%swap3A, %swap3A_31], %swap3A_34 {strides = array<i32>} : memref<128x128xf32, #tpu.memory_space<vmem>>, vector<1x16xf32>,
      %broadcast_in_dim3A_35 = arith.constant 0.000000e+00 : f32
      %broadcast_in_dim3A_36 = vector.broadcast %broadcast_in_dim3A_35 : f32 to vector<16xf32>
      %swap3A_37 = arith.index_cast %add3A_29 : i32 to index
      %swap3A_38 = arith.constant 16 : index
      %swap3A_39 = tpu.vector_load %arg5[%swap3A_37, %swap3A_38] {strides = array<i32>} : memref<128x128xf32, #tpu.memory_space<vmem>>, vector<1x16xf32>,
      %swap3A_40 = vector.shape_cast %swap3A_39 : vector<1x16xf32> to vector<16xf32>
      %swap3A_41 = vector.shape_cast %broadcast_in_dim3A_36 : vector<16xf32> to vector<1x16xf32>
      tpu.vector_store %arg5[%swap3A_37, %swap3A_38], %swap3A_41 {strides = array<i32>} : memref<128x128xf32, #tpu.memory_space<vmem>>, vector<1x16xf32>,
      %broadcast_in_dim3A_42 = arith.constant 0.000000e+00 : f32
      %broadcast_in_dim3A_43 = vector.broadcast %broadcast_in_dim3A_42 : f32 to vector<16xf32>
      %swap3A_44 = arith.index_cast %add3A_29 : i32 to index
      %swap3A_45 = arith.constant 32 : index
      %swap3A_46 = tpu.vector_load %arg5[%swap3A_44, %swap3A_45] {strides = array<i32>} : memref<128x128xf32, #tpu.memory_space<vmem>>, vector<1x16xf32>,
      %swap3A_47 = vector.shape_cast %swap3A_46 : vector<1x16xf32> to vector<16xf32>
      %swap3A_48 = vector.shape_cast %broadcast_in_dim3A_43 : vector<16xf32> to vector<1x16xf32>
      tpu.vector_store %arg5[%swap3A_44, %swap3A_45], %swap3A_48 {strides = array<i32>} : memref<128x128xf32, #tpu.memory_space<vmem>>, vector<1x16xf32>,
      %broadcast_in_dim3A_49 = arith.constant 0.000000e+00 : f32
      %broadcast_in_dim3A_50 = vector.broadcast %broadcast_in_dim3A_49 : f32 to vector<16xf32>
      %swap3A_51 = arith.index_cast %add3A_29 : i32 to index
      %swap3A_52 = arith.constant 48 : index
      %swap3A_53 = tpu.vector_load %arg5[%swap3A_51, %swap3A_52] {strides = array<i32>} : memref<128x128xf32, #tpu.memory_space<vmem>>, vector<1x16xf32>,
      %swap3A_54 = vector.shape_cast %swap3A_53 : vector<1x16xf32> to vector<16xf32>
      %swap3A_55 = vector.shape_cast %broadcast_in_dim3A_50 : vector<16xf32> to vector<1x16xf32>
      tpu.vector_store %arg5[%swap3A_51, %swap3A_52], %swap3A_55 {strides = array<i32>} : memref<128x128xf32, #tpu.memory_space<vmem>>, vector<1x16xf32>,
      %broadcast_in_dim3A_56 = arith.constant 0.000000e+00 : f32
      %broadcast_in_dim3A_57 = vector.broadcast %broadcast_in_dim3A_56 : f32 to vector<16xf32>
      %swap3A_58 = arith.index_cast %add3A_29 : i32 to index
      %swap3A_59 = arith.constant 64 : index
      %swap3A_60 = tpu.vector_load %arg5[%swap3A_58, %swap3A_59] {strides = array<i32>} : memref<128x128xf32, #tpu.memory_space<vmem>>, vector<1x16xf32>,
      %swap3A_61 = vector.shape_cast %swap3A_60 : vector<1x16xf32> to vector<16xf32>
      %swap3A_62 = vector.shape_cast %broadcast_in_dim3A_57 : vector<16xf32> to vector<1x16xf32>
      tpu.vector_store %arg5[%swap3A_58, %swap3A_59], %swap3A_62 {strides = array<i32>} : memref<128x128xf32, #tpu.memory_space<vmem>>, vector<1x16xf32>,
      %broadcast_in_dim3A_63 = arith.constant 0.000000e+00 : f32
      %broadcast_in_dim3A_64 = vector.broadcast %broadcast_in_dim3A_63 : f32 to vector<16xf32>
      %swap3A_65 = arith.index_cast %add3A_29 : i32 to index
      %swap3A_66 = arith.constant 80 : index
      %swap3A_67 = tpu.vector_load %arg5[%swap3A_65, %swap3A_66] {strides = array<i32>} : memref<128x128xf32, #tpu.memory_space<vmem>>, vector<1x16xf32>,
      %swap3A_68 = vector.shape_cast %swap3A_67 : vector<1x16xf32> to vector<16xf32>
      %swap3A_69 = vector.shape_cast %broadcast_in_dim3A_64 : vector<16xf32> to vector<1x16xf32>
      tpu.vector_store %arg5[%swap3A_65, %swap3A_66], %swap3A_69 {strides = array<i32>} : memref<128x128xf32, #tpu.memory_space<vmem>>, vector<1x16xf32>,
      %broadcast_in_dim3A_70 = arith.constant 0.000000e+00 : f32
      %broadcast_in_dim3A_71 = vector.broadcast %broadcast_in_dim3A_70 : f32 to vector<16xf32>
      %swap3A_72 = arith.index_cast %add3A_29 : i32 to index
      %swap3A_73 = arith.constant 96 : index
      %swap3A_74 = tpu.vector_load %arg5[%swap3A_72, %swap3A_73] {strides = array<i32>} : memref<128x128xf32, #tpu.memory_space<vmem>>, vector<1x16xf32>,
      %swap3A_75 = vector.shape_cast %swap3A_74 : vector<1x16xf32> to vector<16xf32>
      %swap3A_76 = vector.shape_cast %broadcast_in_dim3A_71 : vector<16xf32> to vector<1x16xf32>
      tpu.vector_store %arg5[%swap3A_72, %swap3A_73], %swap3A_76 {strides = array<i32>} : memref<128x128xf32, #tpu.memory_space<vmem>>, vector<1x16xf32>,
      %broadcast_in_dim3A_77 = arith.constant 0.000000e+00 : f32
      %broadcast_in_dim3A_78 = vector.broadcast %broadcast_in_dim3A_77 : f32 to vector<16xf32>
      %swap3A_79 = arith.index_cast %add3A_29 : i32 to index
      %swap3A_80 = arith.constant 112 : index
      %swap3A_81 = tpu.vector_load %arg5[%swap3A_79, %swap3A_80] {strides = array<i32>} : memref<128x128xf32, #tpu.memory_space<vmem>>, vector<1x16xf32>,
      %swap3A_82 = vector.shape_cast %swap3A_81 : vector<1x16xf32> to vector<16xf32>
      %swap3A_83 = vector.shape_cast %broadcast_in_dim3A_78 : vector<16xf32> to vector<1x16xf32>
      tpu.vector_store %arg5[%swap3A_79, %swap3A_80], %swap3A_83 {strides = array<i32>} : memref<128x128xf32, #tpu.memory_space<vmem>>, vector<1x16xf32>,
    }
    %scan3A_3 = arith.constant 128 : i32
    %mul3A = arith.constant 632 : i32
    %mul3A_4 = arith.muli %arg1, %mul3A : i32
    %multiple_of3A = tpu.assume_multiple %mul3A_4, 8 : i32
    %add3A = arith.constant 0 : i32
    %add3A_5 = arith.addi %multiple_of3A, %add3A : i32
    "tpu.region"() ({
      %run_scoped3A = tpu.sem_alloc : memref<!tpu.dma_semaphore, #tpu.memory_space<semaphore_mem>>
      %dma_start3A = arith.constant 0 : i32
      %dma_start3A_25 = tpu.memref_slice %arg8[%add3A_5, %dma_start3A] : memref<10112x128xf32, #tpu.memory_space<vmem_shared>> -> memref<128x128xf32, #tpu.memory_space<vmem_shared>>
      %dma_start3A_26 = arith.constant 0 : i32
      %dma_start3A_27 = tpu.memref_slice %arg8[%add3A_5, %dma_start3A_26] : memref<10112x128xf32, #tpu.memory_space<vmem_shared>> -> memref<128x128xf32, #tpu.memory_space<vmem_shared>>
      tpu.enqueue_dma source(%arg5 : memref<128x128xf32, #tpu.memory_space<vmem>>) target(%dma_start3A_27 : memref<128x128xf32, #tpu.memory_space<vmem_shared>>) target_semaphore(%run_scoped3A : memref<!tpu.dma_semaphore, #tpu.memory_space<semaphore_mem>>)
      %dma_wait3A = arith.constant 0 : i32
      %dma_wait3A_28 = tpu.memref_slice %arg8[%add3A_5, %dma_wait3A] : memref<10112x128xf32, #tpu.memory_space<vmem_shared>> -> memref<128x128xf32, #tpu.memory_space<vmem_shared>>
      %dma_wait3A_29 = arith.constant 0 : i32
      %dma_wait3A_30 = tpu.memref_slice %arg8[%add3A_5, %dma_wait3A_29] : memref<10112x128xf32, #tpu.memory_space<vmem_shared>> -> memref<128x128xf32, #tpu.memory_space<vmem_shared>>
      tpu.wait_dma2 semaphore(%run_scoped3A : memref<!tpu.dma_semaphore, #tpu.memory_space<semaphore_mem>>) src(%arg5 : memref<128x128xf32, #tpu.memory_space<vmem>>) dst(%dma_wait3A_30 : memref<128x128xf32, #tpu.memory_space<vmem_shared>>)
      tpu.yield
    }) : () -> ()
    %add3A_6 = arith.constant 128 : i32
    %add3A_7 = arith.addi %multiple_of3A, %add3A_6 : i32
    "tpu.region"() ({
      %run_scoped3A = tpu.sem_alloc : memref<!tpu.dma_semaphore, #tpu.memory_space<semaphore_mem>>
      %dma_start3A = arith.constant 0 : i32
      %dma_start3A_25 = tpu.memref_slice %arg8[%add3A_7, %dma_start3A] : memref<10112x128xf32, #tpu.memory_space<vmem_shared>> -> memref<128x128xf32, #tpu.memory_space<vmem_shared>>
      %dma_start3A_26 = arith.constant 0 : i32
      %dma_start3A_27 = tpu.memref_slice %arg8[%add3A_7, %dma_start3A_26] : memref<10112x128xf32, #tpu.memory_space<vmem_shared>> -> memref<128x128xf32, #tpu.memory_space<vmem_shared>>
      tpu.enqueue_dma source(%arg5 : memref<128x128xf32, #tpu.memory_space<vmem>>) target(%dma_start3A_27 : memref<128x128xf32, #tpu.memory_space<vmem_shared>>) target_semaphore(%run_scoped3A : memref<!tpu.dma_semaphore, #tpu.memory_space<semaphore_mem>>)
      %dma_wait3A = arith.constant 0 : i32
      %dma_wait3A_28 = tpu.memref_slice %arg8[%add3A_7, %dma_wait3A] : memref<10112x128xf32, #tpu.memory_space<vmem_shared>> -> memref<128x128xf32, #tpu.memory_space<vmem_shared>>
      %dma_wait3A_29 = arith.constant 0 : i32
      %dma_wait3A_30 = tpu.memref_slice %arg8[%add3A_7, %dma_wait3A_29] : memref<10112x128xf32, #tpu.memory_space<vmem_shared>> -> memref<128x128xf32, #tpu.memory_space<vmem_shared>>
      tpu.wait_dma2 semaphore(%run_scoped3A : memref<!tpu.dma_semaphore, #tpu.memory_space<semaphore_mem>>) src(%arg5 : memref<128x128xf32, #tpu.memory_space<vmem>>) dst(%dma_wait3A_30 : memref<128x128xf32, #tpu.memory_space<vmem_shared>>)
      tpu.yield
    }) : () -> ()
    %add3A_8 = arith.constant 256 : i32
    %add3A_9 = arith.addi %multiple_of3A, %add3A_8 : i32
    "tpu.region"() ({
      %run_scoped3A = tpu.sem_alloc : memref<!tpu.dma_semaphore, #tpu.memory_space<semaphore_mem>>
      %dma_start3A = arith.constant 0 : i32
      %dma_start3A_25 = tpu.memref_slice %arg8[%add3A_9, %dma_start3A] : memref<10112x128xf32, #tpu.memory_space<vmem_shared>> -> memref<128x128xf32, #tpu.memory_space<vmem_shared>>
      %dma_start3A_26 = arith.constant 0 : i32
      %dma_start3A_27 = tpu.memref_slice %arg8[%add3A_9, %dma_start3A_26] : memref<10112x128xf32, #tpu.memory_space<vmem_shared>> -> memref<128x128xf32, #tpu.memory_space<vmem_shared>>
      tpu.enqueue_dma source(%arg5 : memref<128x128xf32, #tpu.memory_space<vmem>>) target(%dma_start3A_27 : memref<128x128xf32, #tpu.memory_space<vmem_shared>>) target_semaphore(%run_scoped3A : memref<!tpu.dma_semaphore, #tpu.memory_space<semaphore_mem>>)
      %dma_wait3A = arith.constant 0 : i32
      %dma_wait3A_28 = tpu.memref_slice %arg8[%add3A_9, %dma_wait3A] : memref<10112x128xf32, #tpu.memory_space<vmem_shared>> -> memref<128x128xf32, #tpu.memory_space<vmem_shared>>
      %dma_wait3A_29 = arith.constant 0 : i32
      %dma_wait3A_30 = tpu.memref_slice %arg8[%add3A_9, %dma_wait3A_29] : memref<10112x128xf32, #tpu.memory_space<vmem_shared>> -> memref<128x128xf32, #tpu.memory_space<vmem_shared>>
      tpu.wait_dma2 semaphore(%run_scoped3A : memref<!tpu.dma_semaphore, #tpu.memory_space<semaphore_mem>>) src(%arg5 : memref<128x128xf32, #tpu.memory_space<vmem>>) dst(%dma_wait3A_30 : memref<128x128xf32, #tpu.memory_space<vmem_shared>>)
      tpu.yield
    }) : () -> ()
    %add3A_10 = arith.constant 384 : i32
    %add3A_11 = arith.addi %multiple_of3A, %add3A_10 : i32
    "tpu.region"() ({
      %run_scoped3A = tpu.sem_alloc : memref<!tpu.dma_semaphore, #tpu.memory_space<semaphore_mem>>
      %dma_start3A = arith.constant 0 : i32
      %dma_start3A_25 = tpu.memref_slice %arg8[%add3A_11, %dma_start3A] : memref<10112x128xf32, #tpu.memory_space<vmem_shared>> -> memref<128x128xf32, #tpu.memory_space<vmem_shared>>
      %dma_start3A_26 = arith.constant 0 : i32
      %dma_start3A_27 = tpu.memref_slice %arg8[%add3A_11, %dma_start3A_26] : memref<10112x128xf32, #tpu.memory_space<vmem_shared>> -> memref<128x128xf32, #tpu.memory_space<vmem_shared>>
      tpu.enqueue_dma source(%arg5 : memref<128x128xf32, #tpu.memory_space<vmem>>) target(%dma_start3A_27 : memref<128x128xf32, #tpu.memory_space<vmem_shared>>) target_semaphore(%run_scoped3A : memref<!tpu.dma_semaphore, #tpu.memory_space<semaphore_mem>>)
      %dma_wait3A = arith.constant 0 : i32
      %dma_wait3A_28 = tpu.memref_slice %arg8[%add3A_11, %dma_wait3A] : memref<10112x128xf32, #tpu.memory_space<vmem_shared>> -> memref<128x128xf32, #tpu.memory_space<vmem_shared>>
      %dma_wait3A_29 = arith.constant 0 : i32
      %dma_wait3A_30 = tpu.memref_slice %arg8[%add3A_11, %dma_wait3A_29] : memref<10112x128xf32, #tpu.memory_space<vmem_shared>> -> memref<128x128xf32, #tpu.memory_space<vmem_shared>>
      tpu.wait_dma2 semaphore(%run_scoped3A : memref<!tpu.dma_semaphore, #tpu.memory_space<semaphore_mem>>) src(%arg5 : memref<128x128xf32, #tpu.memory_space<vmem>>) dst(%dma_wait3A_30 : memref<128x128xf32, #tpu.memory_space<vmem_shared>>)
      tpu.yield
    }) : () -> ()
    %add3A_12 = arith.constant 512 : i32
    %add3A_13 = arith.addi %multiple_of3A, %add3A_12 : i32
    "tpu.region"() ({
      %run_scoped3A = tpu.sem_alloc : memref<!tpu.dma_semaphore, #tpu.memory_space<semaphore_mem>>
      %dma_start3A = arith.constant 0 : i32
      %dma_start3A_25 = arith.constant 0 : i32
      %dma_start3A_26 = tpu.memref_slice %arg5[%dma_start3A, %dma_start3A_25] : memref<128x128xf32, #tpu.memory_space<vmem>> -> memref<120x128xf32, #tpu.memory_space<vmem>>
      %dma_start3A_27 = arith.constant 0 : i32
      %dma_start3A_28 = tpu.memref_slice %arg8[%add3A_13, %dma_start3A_27] : memref<10112x128xf32, #tpu.memory_space<vmem_shared>> -> memref<120x128xf32, #tpu.memory_space<vmem_shared>>
      %dma_start3A_29 = arith.constant 0 : i32
      %dma_start3A_30 = tpu.memref_slice %arg8[%add3A_13, %dma_start3A_29] : memref<10112x128xf32, #tpu.memory_space<vmem_shared>> -> memref<120x128xf32, #tpu.memory_space<vmem_shared>>
      %dma_start3A_31 = arith.constant 0 : i32
      %dma_start3A_32 = arith.constant 0 : i32
      %dma_start3A_33 = tpu.memref_slice %arg5[%dma_start3A_31, %dma_start3A_32] : memref<128x128xf32, #tpu.memory_space<vmem>> -> memref<120x128xf32, #tpu.memory_space<vmem>>
      tpu.enqueue_dma source(%dma_start3A_33 : memref<120x128xf32, #tpu.memory_space<vmem>>) target(%dma_start3A_30 : memref<120x128xf32, #tpu.memory_space<vmem_shared>>) target_semaphore(%run_scoped3A : memref<!tpu.dma_semaphore, #tpu.memory_space<semaphore_mem>>)
      %dma_wait3A = arith.constant 0 : i32
      %dma_wait3A_34 = arith.constant 0 : i32
      %dma_wait3A_35 = tpu.memref_slice %arg5[%dma_wait3A, %dma_wait3A_34] : memref<128x128xf32, #tpu.memory_space<vmem>> -> memref<120x128xf32, #tpu.memory_space<vmem>>
      %dma_wait3A_36 = arith.constant 0 : i32
      %dma_wait3A_37 = tpu.memref_slice %arg8[%add3A_13, %dma_wait3A_36] : memref<10112x128xf32, #tpu.memory_space<vmem_shared>> -> memref<120x128xf32, #tpu.memory_space<vmem_shared>>
      %dma_wait3A_38 = arith.constant 0 : i32
      %dma_wait3A_39 = tpu.memref_slice %arg8[%add3A_13, %dma_wait3A_38] : memref<10112x128xf32, #tpu.memory_space<vmem_shared>> -> memref<120x128xf32, #tpu.memory_space<vmem_shared>>
      %dma_wait3A_40 = arith.constant 0 : i32
      %dma_wait3A_41 = arith.constant 0 : i32
      %dma_wait3A_42 = tpu.memref_slice %arg5[%dma_wait3A_40, %dma_wait3A_41] : memref<128x128xf32, #tpu.memory_space<vmem>> -> memref<120x128xf32, #tpu.memory_space<vmem>>
      tpu.wait_dma2 semaphore(%run_scoped3A : memref<!tpu.dma_semaphore, #tpu.memory_space<semaphore_mem>>) src(%dma_wait3A_42 : memref<120x128xf32, #tpu.memory_space<vmem>>) dst(%dma_wait3A_39 : memref<120x128xf32, #tpu.memory_space<vmem_shared>>)
      tpu.yield
    }) : () -> ()
    %barrier3A = arith.constant 0 : index
    tpu.barrier barrier_id(%barrier3A)
    %mul3A_14 = arith.constant 10000 : i32
    %mul3A_15 = arith.muli %arg0, %mul3A_14 : i32
    %mul3A_16 = arith.constant 16 : i32
    %mul3A_17 = arith.muli %arg0, %mul3A_16 : i32
    %add3A_18 = arith.addi %mul3A_17, %arg1 : i32
    %scan3A_19 = arith.constant 0 : i32
    %scan3A_20 = arith.constant 79 : i32
    %scan3A_21 = arith.addi %scan3A_19, %scan3A_20 : i32
    %scan3A_22 = arith.constant 1 : i32
    scf.for %scan3A_25 = %scan3A_19 to %scan3A_21 step %scan3A_22  : i32 {
      %mul3A_26 = arith.constant 1 : i32
      %mul3A_27 = arith.muli %scan3A_25, %mul3A_26 : i32
      %add3A_28 = arith.constant 0 : i32
      %add3A_29 = arith.addi %add3A_28, %mul3A_27 : i32
      %mul3A_30 = arith.constant 16 : i32
      %mul3A_31 = arith.muli %add3A_29, %mul3A_30 : i32
      %add3A_32 = arith.addi %mul3A_31, %arg1 : i32
      %lt3A = arith.constant 1250 : i32
      %lt3A_33 = arith.cmpi slt, %add3A_32, %lt3A : i32
      %convert_element_type3A = arith.extui %lt3A_33 : i1 to i32
      %cond3A = arith.constant 0 : i32
      %cond3A_34 = arith.cmpi ne, %convert_element_type3A, %cond3A : i32
      scf.if %cond3A_34 {
        %mul3A_35 = arith.constant 2 : i32
        %mul3A_36 = arith.muli %mul3A_35, %arg0 : i32
        %mul3A_37 = arith.constant 160000 : i32
        %mul3A_38 = arith.muli %mul3A_36, %mul3A_37 : i32
        %mul3A_39 = arith.constant 128 : i32
        %mul3A_40 = arith.muli %add3A_32, %mul3A_39 : i32
        %add3A_41 = arith.addi %mul3A_38, %mul3A_40 : i32
        %multiple_of3A_42 = tpu.assume_multiple %add3A_41, 8 : i32
        %mul3A_43 = arith.constant 2 : i32
        %mul3A_44 = arith.muli %mul3A_43, %arg0 : i32
        %add3A_45 = arith.constant 1 : i32
        %add3A_46 = arith.addi %mul3A_44, %add3A_45 : i32
        %mul3A_47 = arith.constant 160000 : i32
        %mul3A_48 = arith.muli %add3A_46, %mul3A_47 : i32
        %mul3A_49 = arith.constant 128 : i32
        %mul3A_50 = arith.muli %add3A_32, %mul3A_49 : i32
        %add3A_51 = arith.addi %mul3A_48, %mul3A_50 : i32
        %multiple_of3A_52 = tpu.assume_multiple %add3A_51, 8 : i32
        "tpu.region"() ({
          %run_scoped3A = tpu.sem_alloc : memref<!tpu.dma_semaphore, #tpu.memory_space<semaphore_mem>>
          %dma_start3A = tpu.memref_slice %arg3[%multiple_of3A_42] : memref<640000xi32, #tpu.memory_space<hbm>> -> memref<128xi32, #tpu.memory_space<hbm>>
          %dma_start3A_123 = tpu.memref_slice %arg3[%multiple_of3A_42] : memref<640000xi32, #tpu.memory_space<hbm>> -> memref<128xi32, #tpu.memory_space<hbm>>
          tpu.enqueue_dma source(%dma_start3A_123 : memref<128xi32, #tpu.memory_space<hbm>>) target(%arg6 : memref<128xi32, #tpu.memory_space<vmem>>) target_semaphore(%run_scoped3A : memref<!tpu.dma_semaphore, #tpu.memory_space<semaphore_mem>>)
          %dma_wait3A = tpu.memref_slice %arg3[%multiple_of3A_42] : memref<640000xi32, #tpu.memory_space<hbm>> -> memref<128xi32, #tpu.memory_space<hbm>>
          %dma_wait3A_124 = tpu.memref_slice %arg3[%multiple_of3A_42] : memref<640000xi32, #tpu.memory_space<hbm>> -> memref<128xi32, #tpu.memory_space<hbm>>
          tpu.wait_dma2 semaphore(%run_scoped3A : memref<!tpu.dma_semaphore, #tpu.memory_space<semaphore_mem>>) src(%dma_wait3A_124 : memref<128xi32, #tpu.memory_space<hbm>>) dst(%arg6 : memref<128xi32, #tpu.memory_space<vmem>>)
          tpu.yield
        }) : () -> ()
        "tpu.region"() ({
          %run_scoped3A = tpu.sem_alloc : memref<!tpu.dma_semaphore, #tpu.memory_space<semaphore_mem>>
          %dma_start3A = tpu.memref_slice %arg3[%multiple_of3A_52] : memref<640000xi32, #tpu.memory_space<hbm>> -> memref<128xi32, #tpu.memory_space<hbm>>
          %dma_start3A_123 = tpu.memref_slice %arg3[%multiple_of3A_52] : memref<640000xi32, #tpu.memory_space<hbm>> -> memref<128xi32, #tpu.memory_space<hbm>>
          tpu.enqueue_dma source(%dma_start3A_123 : memref<128xi32, #tpu.memory_space<hbm>>) target(%arg7 : memref<128xi32, #tpu.memory_space<vmem>>) target_semaphore(%run_scoped3A : memref<!tpu.dma_semaphore, #tpu.memory_space<semaphore_mem>>)
          %dma_wait3A = tpu.memref_slice %arg3[%multiple_of3A_52] : memref<640000xi32, #tpu.memory_space<hbm>> -> memref<128xi32, #tpu.memory_space<hbm>>
          %dma_wait3A_124 = tpu.memref_slice %arg3[%multiple_of3A_52] : memref<640000xi32, #tpu.memory_space<hbm>> -> memref<128xi32, #tpu.memory_space<hbm>>
          tpu.wait_dma2 semaphore(%run_scoped3A : memref<!tpu.dma_semaphore, #tpu.memory_space<semaphore_mem>>) src(%dma_wait3A_124 : memref<128xi32, #tpu.memory_space<hbm>>) dst(%arg7 : memref<128xi32, #tpu.memory_space<vmem>>)
          tpu.yield
        }) : () -> ()
        %get3A = arith.constant 0 : index
        %get3A_53 = tpu.vector_load %arg6[%get3A] {strides = array<i32>} : memref<128xi32, #tpu.memory_space<vmem>>, vector<16xi32>,
        %get3A_54 = vector.shape_cast %get3A_53 : vector<16xi32> to vector<16xi32>
        %add3A_55 = vector.broadcast %mul3A_15 : i32 to vector<16xi32>
        %add3A_56 = arith.addi %get3A_54, %add3A_55 : vector<16xi32>
        %swap3A = arith.constant 0 : index
        %swap3A_57 = tpu.vector_load %arg6[%swap3A] {strides = array<i32>} : memref<128xi32, #tpu.memory_space<vmem>>, vector<16xi32>,
        %swap3A_58 = vector.shape_cast %swap3A_57 : vector<16xi32> to vector<16xi32>
        %swap3A_59 = vector.shape_cast %add3A_56 : vector<16xi32> to vector<16xi32>
        tpu.vector_store %arg6[%swap3A], %swap3A_59 {strides = array<i32>} : memref<128xi32, #tpu.memory_space<vmem>>, vector<16xi32>,
        %get3A_60 = arith.constant 16 : index
        %get3A_61 = tpu.vector_load %arg6[%get3A_60] {strides = array<i32>} : memref<128xi32, #tpu.memory_space<vmem>>, vector<16xi32>,
        %get3A_62 = vector.shape_cast %get3A_61 : vector<16xi32> to vector<16xi32>
        %add3A_63 = vector.broadcast %mul3A_15 : i32 to vector<16xi32>
        %add3A_64 = arith.addi %get3A_62, %add3A_63 : vector<16xi32>
        %swap3A_65 = arith.constant 16 : index
        %swap3A_66 = tpu.vector_load %arg6[%swap3A_65] {strides = array<i32>} : memref<128xi32, #tpu.memory_space<vmem>>, vector<16xi32>,
        %swap3A_67 = vector.shape_cast %swap3A_66 : vector<16xi32> to vector<16xi32>
        %swap3A_68 = vector.shape_cast %add3A_64 : vector<16xi32> to vector<16xi32>
        tpu.vector_store %arg6[%swap3A_65], %swap3A_68 {strides = array<i32>} : memref<128xi32, #tpu.memory_space<vmem>>, vector<16xi32>,
        %get3A_69 = arith.constant 32 : index
        %get3A_70 = tpu.vector_load %arg6[%get3A_69] {strides = array<i32>} : memref<128xi32, #tpu.memory_space<vmem>>, vector<16xi32>,
        %get3A_71 = vector.shape_cast %get3A_70 : vector<16xi32> to vector<16xi32>
        %add3A_72 = vector.broadcast %mul3A_15 : i32 to vector<16xi32>
        %add3A_73 = arith.addi %get3A_71, %add3A_72 : vector<16xi32>
        %swap3A_74 = arith.constant 32 : index
        %swap3A_75 = tpu.vector_load %arg6[%swap3A_74] {strides = array<i32>} : memref<128xi32, #tpu.memory_space<vmem>>, vector<16xi32>,
        %swap3A_76 = vector.shape_cast %swap3A_75 : vector<16xi32> to vector<16xi32>
        %swap3A_77 = vector.shape_cast %add3A_73 : vector<16xi32> to vector<16xi32>
        tpu.vector_store %arg6[%swap3A_74], %swap3A_77 {strides = array<i32>} : memref<128xi32, #tpu.memory_space<vmem>>, vector<16xi32>,
        %get3A_78 = arith.constant 48 : index
        %get3A_79 = tpu.vector_load %arg6[%get3A_78] {strides = array<i32>} : memref<128xi32, #tpu.memory_space<vmem>>, vector<16xi32>,
        %get3A_80 = vector.shape_cast %get3A_79 : vector<16xi32> to vector<16xi32>
        %add3A_81 = vector.broadcast %mul3A_15 : i32 to vector<16xi32>
        %add3A_82 = arith.addi %get3A_80, %add3A_81 : vector<16xi32>
        %swap3A_83 = arith.constant 48 : index
        %swap3A_84 = tpu.vector_load %arg6[%swap3A_83] {strides = array<i32>} : memref<128xi32, #tpu.memory_space<vmem>>, vector<16xi32>,
        %swap3A_85 = vector.shape_cast %swap3A_84 : vector<16xi32> to vector<16xi32>
        %swap3A_86 = vector.shape_cast %add3A_82 : vector<16xi32> to vector<16xi32>
        tpu.vector_store %arg6[%swap3A_83], %swap3A_86 {strides = array<i32>} : memref<128xi32, #tpu.memory_space<vmem>>, vector<16xi32>,
        %get3A_87 = arith.constant 64 : index
        %get3A_88 = tpu.vector_load %arg6[%get3A_87] {strides = array<i32>} : memref<128xi32, #tpu.memory_space<vmem>>, vector<16xi32>,
        %get3A_89 = vector.shape_cast %get3A_88 : vector<16xi32> to vector<16xi32>
        %add3A_90 = vector.broadcast %mul3A_15 : i32 to vector<16xi32>
        %add3A_91 = arith.addi %get3A_89, %add3A_90 : vector<16xi32>
        %swap3A_92 = arith.constant 64 : index
        %swap3A_93 = tpu.vector_load %arg6[%swap3A_92] {strides = array<i32>} : memref<128xi32, #tpu.memory_space<vmem>>, vector<16xi32>,
        %swap3A_94 = vector.shape_cast %swap3A_93 : vector<16xi32> to vector<16xi32>
        %swap3A_95 = vector.shape_cast %add3A_91 : vector<16xi32> to vector<16xi32>
        tpu.vector_store %arg6[%swap3A_92], %swap3A_95 {strides = array<i32>} : memref<128xi32, #tpu.memory_space<vmem>>, vector<16xi32>,
        %get3A_96 = arith.constant 80 : index
        %get3A_97 = tpu.vector_load %arg6[%get3A_96] {strides = array<i32>} : memref<128xi32, #tpu.memory_space<vmem>>, vector<16xi32>,
        %get3A_98 = vector.shape_cast %get3A_97 : vector<16xi32> to vector<16xi32>
        %add3A_99 = vector.broadcast %mul3A_15 : i32 to vector<16xi32>
        %add3A_100 = arith.addi %get3A_98, %add3A_99 : vector<16xi32>
        %swap3A_101 = arith.constant 80 : index
        %swap3A_102 = tpu.vector_load %arg6[%swap3A_101] {strides = array<i32>} : memref<128xi32, #tpu.memory_space<vmem>>, vector<16xi32>,
        %swap3A_103 = vector.shape_cast %swap3A_102 : vector<16xi32> to vector<16xi32>
        %swap3A_104 = vector.shape_cast %add3A_100 : vector<16xi32> to vector<16xi32>
        tpu.vector_store %arg6[%swap3A_101], %swap3A_104 {strides = array<i32>} : memref<128xi32, #tpu.memory_space<vmem>>, vector<16xi32>,
        %get3A_105 = arith.constant 96 : index
        %get3A_106 = tpu.vector_load %arg6[%get3A_105] {strides = array<i32>} : memref<128xi32, #tpu.memory_space<vmem>>, vector<16xi32>,
        %get3A_107 = vector.shape_cast %get3A_106 : vector<16xi32> to vector<16xi32>
        %add3A_108 = vector.broadcast %mul3A_15 : i32 to vector<16xi32>
        %add3A_109 = arith.addi %get3A_107, %add3A_108 : vector<16xi32>
        %swap3A_110 = arith.constant 96 : index
        %swap3A_111 = tpu.vector_load %arg6[%swap3A_110] {strides = array<i32>} : memref<128xi32, #tpu.memory_space<vmem>>, vector<16xi32>,
        %swap3A_112 = vector.shape_cast %swap3A_111 : vector<16xi32> to vector<16xi32>
        %swap3A_113 = vector.shape_cast %add3A_109 : vector<16xi32> to vector<16xi32>
        tpu.vector_store %arg6[%swap3A_110], %swap3A_113 {strides = array<i32>} : memref<128xi32, #tpu.memory_space<vmem>>, vector<16xi32>,
        %get3A_114 = arith.constant 112 : index
        %get3A_115 = tpu.vector_load %arg6[%get3A_114] {strides = array<i32>} : memref<128xi32, #tpu.memory_space<vmem>>, vector<16xi32>,
        %get3A_116 = vector.shape_cast %get3A_115 : vector<16xi32> to vector<16xi32>
        %add3A_117 = vector.broadcast %mul3A_15 : i32 to vector<16xi32>
        %add3A_118 = arith.addi %get3A_116, %add3A_117 : vector<16xi32>
        %swap3A_119 = arith.constant 112 : index
        %swap3A_120 = tpu.vector_load %arg6[%swap3A_119] {strides = array<i32>} : memref<128xi32, #tpu.memory_space<vmem>>, vector<16xi32>,
        %swap3A_121 = vector.shape_cast %swap3A_120 : vector<16xi32> to vector<16xi32>
        %swap3A_122 = vector.shape_cast %add3A_118 : vector<16xi32> to vector<16xi32>
        tpu.vector_store %arg6[%swap3A_119], %swap3A_122 {strides = array<i32>} : memref<128xi32, #tpu.memory_space<vmem>>, vector<16xi32>,
        "tpu.region"() ({
          %run_scoped3A = tpu.sem_alloc : memref<!tpu.dma_semaphore, #tpu.memory_space<semaphore_mem>>
          %dma_start3A = arith.constant 0 : i32
          %dma_start3A_123 = arith.constant 0 : i32
          %dma_start3A_124 = tpu.memref_slice %arg2[%dma_start3A, %dma_start3A_123] : memref<20000x128xf32, #tpu.memory_space<hbm>> -> memref<20000x128xf32, #tpu.memory_space<hbm>>
          tpu.enqueue_indirect_dma source(%dma_start3A_124 : memref<20000x128xf32, #tpu.memory_space<hbm>>) target(%arg5 : memref<128x128xf32, #tpu.memory_space<vmem>>) offsets(%arg6 : memref<128xi32, #tpu.memory_space<vmem>>) semaphore(%run_scoped3A : memref<!tpu.dma_semaphore, #tpu.memory_space<semaphore_mem>>)
          %dma_wait3A = arith.constant 0 : i32
          %dma_wait3A_125 = arith.constant 0 : i32
          %dma_wait3A_126 = tpu.memref_slice %arg2[%dma_wait3A, %dma_wait3A_125] : memref<20000x128xf32, #tpu.memory_space<hbm>> -> memref<20000x128xf32, #tpu.memory_space<hbm>>
          tpu.wait_indirect_dma semaphore(%run_scoped3A : memref<!tpu.dma_semaphore, #tpu.memory_space<semaphore_mem>>) src(%dma_wait3A_126 : memref<20000x128xf32, #tpu.memory_space<hbm>>) dst(%arg5 : memref<128x128xf32, #tpu.memory_space<vmem>>)
          tpu.yield
        }) : () -> ()
        "tpu.region"() ({
          %run_scoped3A = tpu.sem_alloc : memref<!tpu.dma_semaphore, #tpu.memory_space<semaphore_mem>>
          %dma_start3A = arith.constant 0 : i32
          %dma_start3A_123 = arith.constant 0 : i32
          %dma_start3A_124 = tpu.memref_slice %arg8[%dma_start3A, %dma_start3A_123] : memref<10112x128xf32, #tpu.memory_space<vmem_shared>> -> memref<10112x128xf32, #tpu.memory_space<vmem_shared>>
          tpu.enqueue_indirect_dma source(%arg5 : memref<128x128xf32, #tpu.memory_space<vmem>>) target(%dma_start3A_124 : memref<10112x128xf32, #tpu.memory_space<vmem_shared>>) offsets(%arg7 : memref<128xi32, #tpu.memory_space<vmem>>) semaphore(%run_scoped3A : memref<!tpu.dma_semaphore, #tpu.memory_space<semaphore_mem>>) {add = true}
          %dma_wait3A = arith.constant 0 : i32
          %dma_wait3A_125 = arith.constant 0 : i32
          %dma_wait3A_126 = tpu.memref_slice %arg8[%dma_wait3A, %dma_wait3A_125] : memref<10112x128xf32, #tpu.memory_space<vmem_shared>> -> memref<10112x128xf32, #tpu.memory_space<vmem_shared>>
          tpu.wait_indirect_dma semaphore(%run_scoped3A : memref<!tpu.dma_semaphore, #tpu.memory_space<semaphore_mem>>) src(%arg5 : memref<128x128xf32, #tpu.memory_space<vmem>>) dst(%dma_wait3A_126 : memref<10112x128xf32, #tpu.memory_space<vmem_shared>>)
          tpu.yield
        }) : () -> ()
      } else {
      }
    }
    %scan3A_23 = arith.constant 79 : i32
    %barrier3A_24 = arith.constant 0 : index
    tpu.barrier barrier_id(%barrier3A_24)
    "tpu.region"() ({
      %run_scoped3A = tpu.sem_alloc : memref<!tpu.dma_semaphore, #tpu.memory_space<semaphore_mem>>
      %dma_start3A = arith.constant 0 : i32
      %dma_start3A_25 = arith.constant 0 : i32
      %dma_start3A_26 = tpu.memref_slice %arg4[%add3A_18, %dma_start3A, %dma_start3A_25] : memref<32x632x128xf32, #tpu.memory_space<hbm>> -> memref<1x632x128xf32, #tpu.memory_space<hbm>>
      %dma_start3A_27 = tpu.memref_squeeze %dma_start3A_26 : memref<1x632x128xf32, #tpu.memory_space<hbm>> -> memref<632x128xf32, #tpu.memory_space<hbm>>
      %dma_start3A_28 = arith.constant 0 : i32
      %dma_start3A_29 = tpu.memref_slice %arg8[%multiple_of3A, %dma_start3A_28] : memref<10112x128xf32, #tpu.memory_space<vmem_shared>> -> memref<632x128xf32, #tpu.memory_space<vmem_shared>>
      tpu.enqueue_dma source(%dma_start3A_29 : memref<632x128xf32, #tpu.memory_space<vmem_shared>>) target(%dma_start3A_27 : memref<632x128xf32, #tpu.memory_space<hbm>>) target_semaphore(%run_scoped3A : memref<!tpu.dma_semaphore, #tpu.memory_space<semaphore_mem>>)
      %dma_wait3A = arith.constant 0 : i32
      %dma_wait3A_30 = arith.constant 0 : i32
      %dma_wait3A_31 = tpu.memref_slice %arg4[%add3A_18, %dma_wait3A, %dma_wait3A_30] : memref<32x632x128xf32, #tpu.memory_space<hbm>> -> memref<1x632x128xf32, #tpu.memory_space<hbm>>
      %dma_wait3A_32 = tpu.memref_squeeze %dma_wait3A_31 : memref<1x632x128xf32, #tpu.memory_space<hbm>> -> memref<632x128xf32, #tpu.memory_space<hbm>>
      %dma_wait3A_33 = arith.constant 0 : i32
      %dma_wait3A_34 = tpu.memref_slice %arg8[%multiple_of3A, %dma_wait3A_33] : memref<10112x128xf32, #tpu.memory_space<vmem_shared>> -> memref<632x128xf32, #tpu.memory_space<vmem_shared>>
      tpu.wait_dma2 semaphore(%run_scoped3A : memref<!tpu.dma_semaphore, #tpu.memory_space<semaphore_mem>>) src(%dma_wait3A_34 : memref<632x128xf32, #tpu.memory_space<vmem_shared>>) dst(%dma_wait3A_32 : memref<632x128xf32, #tpu.memory_space<hbm>>)
      tpu.yield
    }) : () -> ()
    return
  }
}

module attributes {stable_mosaic.version = 14 : i64} {
  func.func @_feat_body(%arg0: memref<10000x128xf32, #tpu.memory_space<vmem>>, %arg1: memref<32x10000xf32, #tpu.memory_space<vmem>>, %arg2: memref<20000x128xf32, #tpu.memory_space<vmem>>, %arg3: memref<10000x2xf32, #tpu.memory_space<vmem>>) attributes {dimension_semantics = [], scalar_prefetch = 0 : i64, scratch_operands = 0 : i64, tpu.core_type = #tpu.core_type<tc>} {
    %get3A = arith.constant 0 : index
    %get3A_0 = arith.constant 0 : index
    %get3A_1 = vector.load %arg1[%get3A, %get3A_0] : memref<32x10000xf32, #tpu.memory_space<vmem>>, vector<32x10000xf32>
    %iota3A = tpu.iota {dimensions = array<i32: 0>} : vector<32x4xi32>
    %jit3A = arith.constant 8 : i32
    %div3A = vector.broadcast %jit3A : i32 to vector<32x4xi32>
    %div3A_2 = arith.divsi %iota3A, %div3A : vector<32x4xi32>
    %sign3A = arith.constant 0 : i32
    %sign3A_3 = vector.broadcast %sign3A : i32 to vector<32x4xi32>
    %sign3A_4 = arith.cmpi sgt, %iota3A, %sign3A_3 : vector<32x4xi32>
    %sign3A_5 = arith.extui %sign3A_4 : vector<32x4xi1> to vector<32x4xi32>
    %sign3A_6 = arith.constant 0 : i32
    %sign3A_7 = vector.broadcast %sign3A_6 : i32 to vector<32x4xi32>
    %sign3A_8 = arith.cmpi slt, %iota3A, %sign3A_7 : vector<32x4xi32>
    %sign3A_9 = arith.extui %sign3A_8 : vector<32x4xi1> to vector<32x4xi32>
    %sign3A_10 = arith.subi %sign3A_5, %sign3A_9 : vector<32x4xi32>
    %sign3A_11 = arith.constant 0 : i32
    %sign3A_12 = arith.cmpi sgt, %jit3A, %sign3A_11 : i32
    %sign3A_13 = arith.extui %sign3A_12 : i1 to i32
    %sign3A_14 = arith.constant 0 : i32
    %sign3A_15 = arith.cmpi slt, %jit3A, %sign3A_14 : i32
    %sign3A_16 = arith.extui %sign3A_15 : i1 to i32
    %sign3A_17 = arith.subi %sign3A_13, %sign3A_16 : i32
    %ne3A = vector.broadcast %sign3A_17 : i32 to vector<32x4xi32>
    %ne3A_18 = arith.cmpi ne, %sign3A_10, %ne3A : vector<32x4xi32>
    %rem3A = vector.broadcast %jit3A : i32 to vector<32x4xi32>
    %rem3A_19 = arith.remsi %iota3A, %rem3A : vector<32x4xi32>
    %ne3A_20 = arith.constant 0 : i32
    %ne3A_21 = vector.broadcast %ne3A_20 : i32 to vector<32x4xi32>
    %ne3A_22 = arith.cmpi ne, %rem3A_19, %ne3A_21 : vector<32x4xi32>
    %and3A = arith.andi %ne3A_18, %ne3A_22 : vector<32x4xi1>
    %sub3A = arith.constant 1 : i32
    %sub3A_23 = vector.broadcast %sub3A : i32 to vector<32x4xi32>
    %sub3A_24 = arith.subi %div3A_2, %sub3A_23 : vector<32x4xi32>
    %select_n3A = arith.select %and3A, %sub3A_24, %div3A_2 : vector<32x4xi1>, vector<32x4xi32>
    %iota3A_25 = tpu.iota {dimensions = array<i32: 1>} : vector<32x4xi32>
    %eq3A = arith.cmpi eq, %select_n3A, %iota3A_25 : vector<32x4xi32>
    %convert_element_type3A = arith.extui %eq3A : vector<32x4xi1> to vector<32x4xi32>
    %convert_element_type3A_26 = arith.sitofp %convert_element_type3A : vector<32x4xi32> to vector<32x4xf32>
    %dot_general3A = arith.constant dense<0.000000e+00> : vector<10000x4xf32>
    %dot_general3A_27 = tpu.matmul %get3A_1, %convert_element_type3A_26, %dot_general3A {dimension_numbers = #tpu.dot_dimension_numbers<[0], [0], [1], [1], [0, 1, 1, 1], [], []>, precision = #tpu.contract_precision<fp32>, transpose_lhs_hint = false} : vector<32x10000xf32>, vector<32x4xf32>, vector<10000x4xf32> -> vector<10000x4xf32>
    %gt3A = arith.constant 0.000000e+00 : f32
    %gt3A_28 = vector.broadcast %gt3A : f32 to vector<10000x4xf32>
    %gt3A_29 = arith.cmpf ogt, %dot_general3A_27, %gt3A_28 : vector<10000x4xf32>
    %rsqrt3A = math.rsqrt %dot_general3A_27 : vector<10000x4xf32>
    %jit3A_30 = arith.constant 0.000000e+00 : f32
    %broadcast_in_dim3A = vector.broadcast %jit3A_30 : f32 to vector<10000x4xf32>
    %select_n3A_31 = arith.select %gt3A_29, %rsqrt3A, %broadcast_in_dim3A : vector<10000x4xi1>, vector<10000x4xf32>
    %get3A_32 = arith.constant 0 : index
    %get3A_33 = arith.constant 0 : index
    %get3A_34 = vector.load %arg0[%get3A_32, %get3A_33] : memref<10000x128xf32, #tpu.memory_space<vmem>>, vector<10000x128xf32>
    %slice3A = vector.extract_strided_slice %select_n3A_31 {offsets = [0, 0], sizes = [10000, 1], strides = [1, 1]} : vector<10000x4xf32> to vector<10000x1xf32>
    %mul3A = vector.broadcast %slice3A : vector<10000x1xf32> to vector<10000x128xf32>
    %mul3A_35 = arith.mulf %get3A_34, %mul3A : vector<10000x128xf32>
    %swap3A = arith.constant 0 : index
    %swap3A_36 = arith.constant 0 : index
    %swap3A_37 = vector.load %arg2[%swap3A, %swap3A_36] : memref<20000x128xf32, #tpu.memory_space<vmem>>, vector<10000x128xf32>
    tpu.vector_store %arg2[%swap3A, %swap3A_36], %mul3A_35 {strides = array<i32>} : memref<20000x128xf32, #tpu.memory_space<vmem>>, vector<10000x128xf32>,
    %slice3A_38 = vector.extract_strided_slice %select_n3A_31 {offsets = [0, 2], sizes = [10000, 1], strides = [1, 1]} : vector<10000x4xf32> to vector<10000x1xf32>
    %mul3A_39 = vector.broadcast %slice3A_38 : vector<10000x1xf32> to vector<10000x128xf32>
    %mul3A_40 = arith.mulf %get3A_34, %mul3A_39 : vector<10000x128xf32>
    %swap3A_41 = arith.constant 10000 : index
    %swap3A_42 = arith.constant 0 : index
    %swap3A_43 = vector.load %arg2[%swap3A_41, %swap3A_42] : memref<20000x128xf32, #tpu.memory_space<vmem>>, vector<10000x128xf32>
    tpu.vector_store %arg2[%swap3A_41, %swap3A_42], %mul3A_40 {strides = array<i32>} : memref<20000x128xf32, #tpu.memory_space<vmem>>, vector<10000x128xf32>,
    %slice3A_44 = vector.extract_strided_slice %select_n3A_31 {offsets = [0, 1], sizes = [10000, 1], strides = [1, 1]} : vector<10000x4xf32> to vector<10000x1xf32>
    %slice3A_45 = vector.extract_strided_slice %select_n3A_31 {offsets = [0, 3], sizes = [10000, 1], strides = [1, 1]} : vector<10000x4xf32> to vector<10000x1xf32>
    %concatenate3A = tpu.concatenate %slice3A_44, %slice3A_45 in 1 : vector<10000x1xf32>, vector<10000x1xf32> -> vector<10000x2xf32>
    %swap3A_46 = arith.constant 0 : index
    %swap3A_47 = arith.constant 0 : index
    %swap3A_48 = vector.load %arg3[%swap3A_46, %swap3A_47] : memref<10000x2xf32, #tpu.memory_space<vmem>>, vector<10000x2xf32>
    tpu.vector_store %arg3[%swap3A_46, %swap3A_47], %concatenate3A {strides = array<i32>} : memref<10000x2xf32, #tpu.memory_space<vmem>>, vector<10000x2xf32>,
    return
  }
}

module attributes {stable_mosaic.version = 14 : i64} {
  func.func @_gconv_body(%arg0: i32, %arg1: memref<2x1000x128xf32, #tpu.memory_space<vmem>>, %arg2: memref<1000x2xf32, #tpu.memory_space<vmem>>, %arg3: memref<128x128xf32, #tpu.memory_space<vmem>>, %arg4: memref<128xf32, #tpu.memory_space<vmem>>, %arg5: memref<2x1000x128xf32, #tpu.memory_space<vmem>>) attributes {dimension_semantics = [#tpu.dimension_semantics<arbitrary>], iteration_bounds = array<i64: 10>, scalar_prefetch = 0 : i64, scratch_operands = 0 : i64, tpu.core_type = #tpu.core_type<tc>, window_params = [{transform_indices = @transform_0, window_bounds = array<i64: 2, 1000, 128>}, {transform_indices = @transform_1, window_bounds = array<i64: 1000, 2>}, {pipeline_mode = #tpu.pipeline_mode<synchronous>, transform_indices = @transform_2, window_bounds = array<i64: 128, 128>}, {pipeline_mode = #tpu.pipeline_mode<synchronous>, transform_indices = @transform_3, window_bounds = array<i64: 128>}, {transform_indices = @transform_4, window_bounds = array<i64: 2, 1000, 128>}]} {
    %get3A = arith.constant 0 : index
    %get3A_0 = arith.constant 0 : index
    %get3A_1 = vector.load %arg2[%get3A, %get3A_0] : memref<1000x2xf32, #tpu.memory_space<vmem>>, vector<1000x2xf32>
    %get3A_2 = arith.constant 0 : index
    %get3A_3 = arith.constant 0 : index
    %get3A_4 = vector.load %arg3[%get3A_2, %get3A_3] : memref<128x128xf32, #tpu.memory_space<vmem>>, vector<128x128xf32>
    %get3A_5 = arith.constant 0 : index
    %get3A_6 = vector.load %arg4[%get3A_5] : memref<128xf32, #tpu.memory_space<vmem>>, vector<128xf32>
    %get3A_7 = arith.constant 0 : index
    %get3A_8 = arith.constant 0 : index
    %get3A_9 = arith.constant 0 : index
    %get3A_10 = vector.load %arg1[%get3A_7, %get3A_8, %get3A_9] : memref<2x1000x128xf32, #tpu.memory_space<vmem>>, vector<1x1000x128xf32>
    %get3A_11 = vector.shape_cast %get3A_10 : vector<1x1000x128xf32> to vector<1000x128xf32>
    %slice3A = vector.extract_strided_slice %get3A_1 {offsets = [0, 0], sizes = [1000, 1], strides = [1, 1]} : vector<1000x2xf32> to vector<1000x1xf32>
    %mul3A = vector.broadcast %slice3A : vector<1000x1xf32> to vector<1000x128xf32>
    %mul3A_12 = arith.mulf %get3A_11, %mul3A : vector<1000x128xf32>
    %convert_element_type3A = arith.truncf %mul3A_12 : vector<1000x128xf32> to vector<1000x128xbf16>
    %convert_element_type3A_13 = arith.truncf %get3A_4 : vector<128x128xf32> to vector<128x128xbf16>
    %dot_general3A = arith.constant dense<0.000000e+00> : vector<1000x128xf32>
    %dot_general3A_14 = tpu.matmul %convert_element_type3A, %convert_element_type3A_13, %dot_general3A {dimension_numbers = #tpu.dot_dimension_numbers<[1], [0], [0], [1], [0, 0, 1, 1], [], []>, transpose_lhs_hint = false} : vector<1000x128xbf16>, vector<128x128xbf16>, vector<1000x128xf32> -> vector<1000x128xf32>
    %broadcast_in_dim3A = vector.shape_cast %get3A_6 : vector<128xf32> to vector<1x128xf32>
    %add3A = vector.broadcast %broadcast_in_dim3A : vector<1x128xf32> to vector<1000x128xf32>
    %add3A_15 = arith.addf %dot_general3A_14, %add3A : vector<1000x128xf32>
    %swap3A = arith.constant 0 : index
    %swap3A_16 = arith.constant 0 : index
    %swap3A_17 = arith.constant 0 : index
    %swap3A_18 = vector.load %arg5[%swap3A, %swap3A_16, %swap3A_17] : memref<2x1000x128xf32, #tpu.memory_space<vmem>>, vector<1x1000x128xf32>
    %swap3A_19 = vector.shape_cast %swap3A_18 : vector<1x1000x128xf32> to vector<1000x128xf32>
    %swap3A_20 = vector.shape_cast %add3A_15 : vector<1000x128xf32> to vector<1x1000x128xf32>
    tpu.vector_store %arg5[%swap3A, %swap3A_16, %swap3A_17], %swap3A_20 {strides = array<i32>} : memref<2x1000x128xf32, #tpu.memory_space<vmem>>, vector<1x1000x128xf32>,
    %get3A_21 = arith.constant 1 : index
    %get3A_22 = arith.constant 0 : index
    %get3A_23 = arith.constant 0 : index
    %get3A_24 = vector.load %arg1[%get3A_21, %get3A_22, %get3A_23] : memref<2x1000x128xf32, #tpu.memory_space<vmem>>, vector<1x1000x128xf32>
    %get3A_25 = vector.shape_cast %get3A_24 : vector<1x1000x128xf32> to vector<1000x128xf32>
    %slice3A_26 = vector.extract_strided_slice %get3A_1 {offsets = [0, 1], sizes = [1000, 1], strides = [1, 1]} : vector<1000x2xf32> to vector<1000x1xf32>
    %mul3A_27 = vector.broadcast %slice3A_26 : vector<1000x1xf32> to vector<1000x128xf32>
    %mul3A_28 = arith.mulf %get3A_25, %mul3A_27 : vector<1000x128xf32>
    %convert_element_type3A_29 = arith.truncf %mul3A_28 : vector<1000x128xf32> to vector<1000x128xbf16>
    %convert_element_type3A_30 = arith.truncf %get3A_4 : vector<128x128xf32> to vector<128x128xbf16>
    %dot_general3A_31 = arith.constant dense<0.000000e+00> : vector<1000x128xf32>
    %dot_general3A_32 = tpu.matmul %convert_element_type3A_29, %convert_element_type3A_30, %dot_general3A_31 {dimension_numbers = #tpu.dot_dimension_numbers<[1], [0], [0], [1], [0, 0, 1, 1], [], []>, transpose_lhs_hint = false} : vector<1000x128xbf16>, vector<128x128xbf16>, vector<1000x128xf32> -> vector<1000x128xf32>
    %broadcast_in_dim3A_33 = vector.shape_cast %get3A_6 : vector<128xf32> to vector<1x128xf32>
    %add3A_34 = vector.broadcast %broadcast_in_dim3A_33 : vector<1x128xf32> to vector<1000x128xf32>
    %add3A_35 = arith.addf %dot_general3A_32, %add3A_34 : vector<1000x128xf32>
    %swap3A_36 = arith.constant 1 : index
    %swap3A_37 = arith.constant 0 : index
    %swap3A_38 = arith.constant 0 : index
    %swap3A_39 = vector.load %arg5[%swap3A_36, %swap3A_37, %swap3A_38] : memref<2x1000x128xf32, #tpu.memory_space<vmem>>, vector<1x1000x128xf32>
    %swap3A_40 = vector.shape_cast %swap3A_39 : vector<1x1000x128xf32> to vector<1000x128xf32>
    %swap3A_41 = vector.shape_cast %add3A_35 : vector<1000x128xf32> to vector<1x1000x128xf32>
    tpu.vector_store %arg5[%swap3A_36, %swap3A_37, %swap3A_38], %swap3A_41 {strides = array<i32>} : memref<2x1000x128xf32, #tpu.memory_space<vmem>>, vector<1x1000x128xf32>,
    return
  }
  func.func @transform_0(%arg0: i32) -> (i32, i32, i32) {
    %c0_i32 = arith.constant 0 : i32
    %c0_i32_0 = arith.constant 0 : i32
    %c0_i32_1 = arith.constant 0 : i32
    return %c0_i32, %arg0, %c0_i32_0 : i32, i32, i32
  }
  func.func @transform_1(%arg0: i32) -> (i32, i32) {
    %c0_i32 = arith.constant 0 : i32
    %c0_i32_0 = arith.constant 0 : i32
    return %arg0, %c0_i32 : i32, i32
  }
  func.func @transform_2(%arg0: i32) -> (i32, i32) {
    %c0_i32 = arith.constant 0 : i32
    %c0_i32_0 = arith.constant 0 : i32
    %c0_i32_1 = arith.constant 0 : i32
    return %c0_i32, %c0_i32_0 : i32, i32
  }
  func.func @transform_3(%arg0: i32) -> i32 {
    %c0_i32 = arith.constant 0 : i32
    %c0_i32_0 = arith.constant 0 : i32
    return %c0_i32 : i32
  }
  func.func @transform_4(%arg0: i32) -> (i32, i32, i32) {
    %c0_i32 = arith.constant 0 : i32
    %c0_i32_0 = arith.constant 0 : i32
    %c0_i32_1 = arith.constant 0 : i32
    return %c0_i32, %arg0, %c0_i32_0 : i32, i32, i32
  }
}

module attributes {stable_mosaic.version = 14 : i64} {
  func.func @_node_body(%arg0: i32, %arg1: memref<2x1000x128xf32, #tpu.memory_space<vmem>>, %arg2: memref<128xf32, #tpu.memory_space<vmem>>, %arg3: memref<128xf32, #tpu.memory_space<vmem>>, %arg4: memref<2x128x64xf32, #tpu.memory_space<vmem>>, %arg5: memref<2x64x1xf32, #tpu.memory_space<vmem>>, %arg6: memref<128x1xf32, #tpu.memory_space<vmem>>, %arg7: memref<1xf32, #tpu.memory_space<vmem>>, %arg8: memref<1000x128xf32, #tpu.memory_space<vmem>>, %arg9: memref<1000x1xf32, #tpu.memory_space<vmem>>) attributes {dimension_semantics = [#tpu.dimension_semantics<arbitrary>], iteration_bounds = array<i64: 10>, scalar_prefetch = 0 : i64, scratch_operands = 0 : i64, tpu.core_type = #tpu.core_type<tc>, window_params = [{transform_indices = @transform_0, window_bounds = array<i64: 2, 1000, 128>}, {pipeline_mode = #tpu.pipeline_mode<synchronous>, transform_indices = @transform_1, window_bounds = array<i64: 128>}, {pipeline_mode = #tpu.pipeline_mode<synchronous>, transform_indices = @transform_2, window_bounds = array<i64: 128>}, {pipeline_mode = #tpu.pipeline_mode<synchronous>, transform_indices = @transform_3, window_bounds = array<i64: 2, 128, 64>}, {pipeline_mode = #tpu.pipeline_mode<synchronous>, transform_indices = @transform_4, window_bounds = array<i64: 2, 64, 1>}, {pipeline_mode = #tpu.pipeline_mode<synchronous>, transform_indices = @transform_5, window_bounds = array<i64: 128, 1>}, {pipeline_mode = #tpu.pipeline_mode<synchronous>, transform_indices = @transform_6, window_bounds = array<i64: 1>}, {transform_indices = @transform_7, window_bounds = array<i64: 1000, 128>}, {transform_indices = @transform_8, window_bounds = array<i64: 1000, 1>}]} {
    %get3A = arith.constant 0 : index
    %get3A_0 = vector.load %arg2[%get3A] : memref<128xf32, #tpu.memory_space<vmem>>, vector<128xf32>
    %get3A_1 = arith.constant 0 : index
    %get3A_2 = vector.load %arg3[%get3A_1] : memref<128xf32, #tpu.memory_space<vmem>>, vector<128xf32>
    %get3A_3 = arith.constant 0 : index
    %get3A_4 = arith.constant 0 : index
    %get3A_5 = arith.constant 0 : index
    %get3A_6 = vector.load %arg1[%get3A_3, %get3A_4, %get3A_5] : memref<2x1000x128xf32, #tpu.memory_space<vmem>>, vector<1x1000x128xf32>
    %get3A_7 = vector.shape_cast %get3A_6 : vector<1x1000x128xf32> to vector<1000x128xf32>
    %slice3A = vector.extract_strided_slice %get3A_7 {offsets = [0, 0], sizes = [1000, 8], strides = [1, 1]} : vector<1000x128xf32> to vector<1000x8xf32>
    %slice3A_8 = vector.extract_strided_slice %get3A_7 {offsets = [0, 8], sizes = [1000, 8], strides = [1, 1]} : vector<1000x128xf32> to vector<1000x8xf32>
    %add3A = arith.addf %slice3A, %slice3A_8 : vector<1000x8xf32>
    %slice3A_9 = vector.extract_strided_slice %get3A_7 {offsets = [0, 16], sizes = [1000, 8], strides = [1, 1]} : vector<1000x128xf32> to vector<1000x8xf32>
    %add3A_10 = arith.addf %add3A, %slice3A_9 : vector<1000x8xf32>
    %slice3A_11 = vector.extract_strided_slice %get3A_7 {offsets = [0, 24], sizes = [1000, 8], strides = [1, 1]} : vector<1000x128xf32> to vector<1000x8xf32>
    %add3A_12 = arith.addf %add3A_10, %slice3A_11 : vector<1000x8xf32>
    %slice3A_13 = vector.extract_strided_slice %get3A_7 {offsets = [0, 32], sizes = [1000, 8], strides = [1, 1]} : vector<1000x128xf32> to vector<1000x8xf32>
    %add3A_14 = arith.addf %add3A_12, %slice3A_13 : vector<1000x8xf32>
    %slice3A_15 = vector.extract_strided_slice %get3A_7 {offsets = [0, 40], sizes = [1000, 8], strides = [1, 1]} : vector<1000x128xf32> to vector<1000x8xf32>
    %add3A_16 = arith.addf %add3A_14, %slice3A_15 : vector<1000x8xf32>
    %slice3A_17 = vector.extract_strided_slice %get3A_7 {offsets = [0, 48], sizes = [1000, 8], strides = [1, 1]} : vector<1000x128xf32> to vector<1000x8xf32>
    %add3A_18 = arith.addf %add3A_16, %slice3A_17 : vector<1000x8xf32>
    %slice3A_19 = vector.extract_strided_slice %get3A_7 {offsets = [0, 56], sizes = [1000, 8], strides = [1, 1]} : vector<1000x128xf32> to vector<1000x8xf32>
    %add3A_20 = arith.addf %add3A_18, %slice3A_19 : vector<1000x8xf32>
    %slice3A_21 = vector.extract_strided_slice %get3A_7 {offsets = [0, 64], sizes = [1000, 8], strides = [1, 1]} : vector<1000x128xf32> to vector<1000x8xf32>
    %add3A_22 = arith.addf %add3A_20, %slice3A_21 : vector<1000x8xf32>
    %slice3A_23 = vector.extract_strided_slice %get3A_7 {offsets = [0, 72], sizes = [1000, 8], strides = [1, 1]} : vector<1000x128xf32> to vector<1000x8xf32>
    %add3A_24 = arith.addf %add3A_22, %slice3A_23 : vector<1000x8xf32>
    %slice3A_25 = vector.extract_strided_slice %get3A_7 {offsets = [0, 80], sizes = [1000, 8], strides = [1, 1]} : vector<1000x128xf32> to vector<1000x8xf32>
    %add3A_26 = arith.addf %add3A_24, %slice3A_25 : vector<1000x8xf32>
    %slice3A_27 = vector.extract_strided_slice %get3A_7 {offsets = [0, 88], sizes = [1000, 8], strides = [1, 1]} : vector<1000x128xf32> to vector<1000x8xf32>
    %add3A_28 = arith.addf %add3A_26, %slice3A_27 : vector<1000x8xf32>
    %slice3A_29 = vector.extract_strided_slice %get3A_7 {offsets = [0, 96], sizes = [1000, 8], strides = [1, 1]} : vector<1000x128xf32> to vector<1000x8xf32>
    %add3A_30 = arith.addf %add3A_28, %slice3A_29 : vector<1000x8xf32>
    %slice3A_31 = vector.extract_strided_slice %get3A_7 {offsets = [0, 104], sizes = [1000, 8], strides = [1, 1]} : vector<1000x128xf32> to vector<1000x8xf32>
    %add3A_32 = arith.addf %add3A_30, %slice3A_31 : vector<1000x8xf32>
    %slice3A_33 = vector.extract_strided_slice %get3A_7 {offsets = [0, 112], sizes = [1000, 8], strides = [1, 1]} : vector<1000x128xf32> to vector<1000x8xf32>
    %add3A_34 = arith.addf %add3A_32, %slice3A_33 : vector<1000x8xf32>
    %slice3A_35 = vector.extract_strided_slice %get3A_7 {offsets = [0, 120], sizes = [1000, 8], strides = [1, 1]} : vector<1000x128xf32> to vector<1000x8xf32>
    %add3A_36 = arith.addf %add3A_34, %slice3A_35 : vector<1000x8xf32>
    %slice3A_37 = vector.extract_strided_slice %add3A_36 {offsets = [0, 0], sizes = [1000, 1], strides = [1, 1]} : vector<1000x8xf32> to vector<1000x1xf32>
    %slice3A_38 = vector.extract_strided_slice %add3A_36 {offsets = [0, 4], sizes = [1000, 1], strides = [1, 1]} : vector<1000x8xf32> to vector<1000x1xf32>
    %add3A_39 = arith.addf %slice3A_37, %slice3A_38 : vector<1000x1xf32>
    %slice3A_40 = vector.extract_strided_slice %add3A_36 {offsets = [0, 2], sizes = [1000, 1], strides = [1, 1]} : vector<1000x8xf32> to vector<1000x1xf32>
    %slice3A_41 = vector.extract_strided_slice %add3A_36 {offsets = [0, 6], sizes = [1000, 1], strides = [1, 1]} : vector<1000x8xf32> to vector<1000x1xf32>
    %add3A_42 = arith.addf %slice3A_40, %slice3A_41 : vector<1000x1xf32>
    %slice3A_43 = vector.extract_strided_slice %add3A_36 {offsets = [0, 1], sizes = [1000, 1], strides = [1, 1]} : vector<1000x8xf32> to vector<1000x1xf32>
    %slice3A_44 = vector.extract_strided_slice %add3A_36 {offsets = [0, 5], sizes = [1000, 1], strides = [1, 1]} : vector<1000x8xf32> to vector<1000x1xf32>
    %add3A_45 = arith.addf %slice3A_43, %slice3A_44 : vector<1000x1xf32>
    %slice3A_46 = vector.extract_strided_slice %add3A_36 {offsets = [0, 3], sizes = [1000, 1], strides = [1, 1]} : vector<1000x8xf32> to vector<1000x1xf32>
    %slice3A_47 = vector.extract_strided_slice %add3A_36 {offsets = [0, 7], sizes = [1000, 1], strides = [1, 1]} : vector<1000x8xf32> to vector<1000x1xf32>
    %add3A_48 = arith.addf %slice3A_46, %slice3A_47 : vector<1000x1xf32>
    %add3A_49 = arith.addf %add3A_39, %add3A_42 : vector<1000x1xf32>
    %add3A_50 = arith.addf %add3A_45, %add3A_48 : vector<1000x1xf32>
    %add3A_51 = arith.addf %add3A_49, %add3A_50 : vector<1000x1xf32>
    %mul3A = arith.constant 7.812500e-03 : f32
    %mul3A_52 = vector.broadcast %mul3A : f32 to vector<1000x1xf32>
    %mul3A_53 = arith.mulf %add3A_51, %mul3A_52 : vector<1000x1xf32>
    %sub3A = vector.broadcast %mul3A_53 : vector<1000x1xf32> to vector<1000x128xf32>
    %sub3A_54 = arith.subf %get3A_7, %sub3A : vector<1000x128xf32>
    %mul3A_55 = arith.mulf %sub3A_54, %sub3A_54 : vector<1000x128xf32>
    %slice3A_56 = vector.extract_strided_slice %mul3A_55 {offsets = [0, 0], sizes = [1000, 8], strides = [1, 1]} : vector<1000x128xf32> to vector<1000x8xf32>
    %slice3A_57 = vector.extract_strided_slice %mul3A_55 {offsets = [0, 8], sizes = [1000, 8], strides = [1, 1]} : vector<1000x128xf32> to vector<1000x8xf32>
    %add3A_58 = arith.addf %slice3A_56, %slice3A_57 : vector<1000x8xf32>
    %slice3A_59 = vector.extract_strided_slice %mul3A_55 {offsets = [0, 16], sizes = [1000, 8], strides = [1, 1]} : vector<1000x128xf32> to vector<1000x8xf32>
    %add3A_60 = arith.addf %add3A_58, %slice3A_59 : vector<1000x8xf32>
    %slice3A_61 = vector.extract_strided_slice %mul3A_55 {offsets = [0, 24], sizes = [1000, 8], strides = [1, 1]} : vector<1000x128xf32> to vector<1000x8xf32>
    %add3A_62 = arith.addf %add3A_60, %slice3A_61 : vector<1000x8xf32>
    %slice3A_63 = vector.extract_strided_slice %mul3A_55 {offsets = [0, 32], sizes = [1000, 8], strides = [1, 1]} : vector<1000x128xf32> to vector<1000x8xf32>
    %add3A_64 = arith.addf %add3A_62, %slice3A_63 : vector<1000x8xf32>
    %slice3A_65 = vector.extract_strided_slice %mul3A_55 {offsets = [0, 40], sizes = [1000, 8], strides = [1, 1]} : vector<1000x128xf32> to vector<1000x8xf32>
    %add3A_66 = arith.addf %add3A_64, %slice3A_65 : vector<1000x8xf32>
    %slice3A_67 = vector.extract_strided_slice %mul3A_55 {offsets = [0, 48], sizes = [1000, 8], strides = [1, 1]} : vector<1000x128xf32> to vector<1000x8xf32>
    %add3A_68 = arith.addf %add3A_66, %slice3A_67 : vector<1000x8xf32>
    %slice3A_69 = vector.extract_strided_slice %mul3A_55 {offsets = [0, 56], sizes = [1000, 8], strides = [1, 1]} : vector<1000x128xf32> to vector<1000x8xf32>
    %add3A_70 = arith.addf %add3A_68, %slice3A_69 : vector<1000x8xf32>
    %slice3A_71 = vector.extract_strided_slice %mul3A_55 {offsets = [0, 64], sizes = [1000, 8], strides = [1, 1]} : vector<1000x128xf32> to vector<1000x8xf32>
    %add3A_72 = arith.addf %add3A_70, %slice3A_71 : vector<1000x8xf32>
    %slice3A_73 = vector.extract_strided_slice %mul3A_55 {offsets = [0, 72], sizes = [1000, 8], strides = [1, 1]} : vector<1000x128xf32> to vector<1000x8xf32>
    %add3A_74 = arith.addf %add3A_72, %slice3A_73 : vector<1000x8xf32>
    %slice3A_75 = vector.extract_strided_slice %mul3A_55 {offsets = [0, 80], sizes = [1000, 8], strides = [1, 1]} : vector<1000x128xf32> to vector<1000x8xf32>
    %add3A_76 = arith.addf %add3A_74, %slice3A_75 : vector<1000x8xf32>
    %slice3A_77 = vector.extract_strided_slice %mul3A_55 {offsets = [0, 88], sizes = [1000, 8], strides = [1, 1]} : vector<1000x128xf32> to vector<1000x8xf32>
    %add3A_78 = arith.addf %add3A_76, %slice3A_77 : vector<1000x8xf32>
    %slice3A_79 = vector.extract_strided_slice %mul3A_55 {offsets = [0, 96], sizes = [1000, 8], strides = [1, 1]} : vector<1000x128xf32> to vector<1000x8xf32>
    %add3A_80 = arith.addf %add3A_78, %slice3A_79 : vector<1000x8xf32>
    %slice3A_81 = vector.extract_strided_slice %mul3A_55 {offsets = [0, 104], sizes = [1000, 8], strides = [1, 1]} : vector<1000x128xf32> to vector<1000x8xf32>
    %add3A_82 = arith.addf %add3A_80, %slice3A_81 : vector<1000x8xf32>
    %slice3A_83 = vector.extract_strided_slice %mul3A_55 {offsets = [0, 112], sizes = [1000, 8], strides = [1, 1]} : vector<1000x128xf32> to vector<1000x8xf32>
    %add3A_84 = arith.addf %add3A_82, %slice3A_83 : vector<1000x8xf32>
    %slice3A_85 = vector.extract_strided_slice %mul3A_55 {offsets = [0, 120], sizes = [1000, 8], strides = [1, 1]} : vector<1000x128xf32> to vector<1000x8xf32>
    %add3A_86 = arith.addf %add3A_84, %slice3A_85 : vector<1000x8xf32>
    %slice3A_87 = vector.extract_strided_slice %add3A_86 {offsets = [0, 0], sizes = [1000, 1], strides = [1, 1]} : vector<1000x8xf32> to vector<1000x1xf32>
    %slice3A_88 = vector.extract_strided_slice %add3A_86 {offsets = [0, 4], sizes = [1000, 1], strides = [1, 1]} : vector<1000x8xf32> to vector<1000x1xf32>
    %add3A_89 = arith.addf %slice3A_87, %slice3A_88 : vector<1000x1xf32>
    %slice3A_90 = vector.extract_strided_slice %add3A_86 {offsets = [0, 2], sizes = [1000, 1], strides = [1, 1]} : vector<1000x8xf32> to vector<1000x1xf32>
    %slice3A_91 = vector.extract_strided_slice %add3A_86 {offsets = [0, 6], sizes = [1000, 1], strides = [1, 1]} : vector<1000x8xf32> to vector<1000x1xf32>
    %add3A_92 = arith.addf %slice3A_90, %slice3A_91 : vector<1000x1xf32>
    %slice3A_93 = vector.extract_strided_slice %add3A_86 {offsets = [0, 1], sizes = [1000, 1], strides = [1, 1]} : vector<1000x8xf32> to vector<1000x1xf32>
    %slice3A_94 = vector.extract_strided_slice %add3A_86 {offsets = [0, 5], sizes = [1000, 1], strides = [1, 1]} : vector<1000x8xf32> to vector<1000x1xf32>
    %add3A_95 = arith.addf %slice3A_93, %slice3A_94 : vector<1000x1xf32>
    %slice3A_96 = vector.extract_strided_slice %add3A_86 {offsets = [0, 3], sizes = [1000, 1], strides = [1, 1]} : vector<1000x8xf32> to vector<1000x1xf32>
    %slice3A_97 = vector.extract_strided_slice %add3A_86 {offsets = [0, 7], sizes = [1000, 1], strides = [1, 1]} : vector<1000x8xf32> to vector<1000x1xf32>
    %add3A_98 = arith.addf %slice3A_96, %slice3A_97 : vector<1000x1xf32>
    %add3A_99 = arith.addf %add3A_89, %add3A_92 : vector<1000x1xf32>
    %add3A_100 = arith.addf %add3A_95, %add3A_98 : vector<1000x1xf32>
    %add3A_101 = arith.addf %add3A_99, %add3A_100 : vector<1000x1xf32>
    %mul3A_102 = arith.constant 7.812500e-03 : f32
    %mul3A_103 = vector.broadcast %mul3A_102 : f32 to vector<1000x1xf32>
    %mul3A_104 = arith.mulf %add3A_101, %mul3A_103 : vector<1000x1xf32>
    %add3A_105 = arith.constant 9.99999974E-6 : f32
    %add3A_106 = vector.broadcast %add3A_105 : f32 to vector<1000x1xf32>
    %add3A_107 = arith.addf %mul3A_104, %add3A_106 : vector<1000x1xf32>
    %rsqrt3A = math.rsqrt %add3A_107 : vector<1000x1xf32>
    %mul3A_108 = arith.constant 5.000000e-01 : f32
    %mul3A_109 = vector.broadcast %mul3A_108 : f32 to vector<1000x1xf32>
    %mul3A_110 = arith.mulf %mul3A_109, %add3A_107 : vector<1000x1xf32>
    %mul3A_111 = arith.mulf %mul3A_110, %rsqrt3A : vector<1000x1xf32>
    %mul3A_112 = arith.mulf %mul3A_111, %rsqrt3A : vector<1000x1xf32>
    %sub3A_113 = arith.constant 1.500000e+00 : f32
    %sub3A_114 = vector.broadcast %sub3A_113 : f32 to vector<1000x1xf32>
    %sub3A_115 = arith.subf %sub3A_114, %mul3A_112 : vector<1000x1xf32>
    %mul3A_116 = arith.mulf %rsqrt3A, %sub3A_115 : vector<1000x1xf32>
    %mul3A_117 = vector.broadcast %mul3A_116 : vector<1000x1xf32> to vector<1000x128xf32>
    %mul3A_118 = arith.mulf %sub3A_54, %mul3A_117 : vector<1000x128xf32>
    %broadcast_in_dim3A = vector.shape_cast %get3A_0 : vector<128xf32> to vector<1x128xf32>
    %mul3A_119 = vector.broadcast %broadcast_in_dim3A : vector<1x128xf32> to vector<1000x128xf32>
    %mul3A_120 = arith.mulf %mul3A_118, %mul3A_119 : vector<1000x128xf32>
    %broadcast_in_dim3A_121 = vector.shape_cast %get3A_2 : vector<128xf32> to vector<1x128xf32>
    %add3A_122 = vector.broadcast %broadcast_in_dim3A_121 : vector<1x128xf32> to vector<1000x128xf32>
    %add3A_123 = arith.addf %mul3A_120, %add3A_122 : vector<1000x128xf32>
    %get3A_124 = arith.constant 0 : index
    %get3A_125 = arith.constant 0 : index
    %get3A_126 = arith.constant 0 : index
    %get3A_127 = vector.load %arg4[%get3A_124, %get3A_125, %get3A_126] : memref<2x128x64xf32, #tpu.memory_space<vmem>>, vector<1x128x64xf32>
    %get3A_128 = vector.shape_cast %get3A_127 : vector<1x128x64xf32> to vector<128x64xf32>
    %convert_element_type3A = arith.truncf %add3A_123 : vector<1000x128xf32> to vector<1000x128xbf16>
    %convert_element_type3A_129 = arith.truncf %get3A_128 : vector<128x64xf32> to vector<128x64xbf16>
    %dot_general3A = arith.constant dense<0.000000e+00> : vector<1000x64xf32>
    %dot_general3A_130 = tpu.matmul %convert_element_type3A, %convert_element_type3A_129, %dot_general3A {dimension_numbers = #tpu.dot_dimension_numbers<[1], [0], [0], [1], [0, 0, 1, 1], [], []>, transpose_lhs_hint = false} : vector<1000x128xbf16>, vector<128x64xbf16>, vector<1000x64xf32> -> vector<1000x64xf32>
    %neg3A = arith.constant 0.000000e+00 : f32
    %neg3A_131 = vector.broadcast %neg3A : f32 to vector<1000x64xf32>
    %neg3A_132 = arith.subf %neg3A_131, %dot_general3A_130 : vector<1000x64xf32>
    %exp3A = math.exp %neg3A_132 : vector<1000x64xf32>
    %add3A_133 = arith.constant 1.000000e+00 : f32
    %add3A_134 = vector.broadcast %add3A_133 : f32 to vector<1000x64xf32>
    %add3A_135 = arith.addf %add3A_134, %exp3A : vector<1000x64xf32>
    %div3A = arith.constant 1.000000e+00 : f32
    %div3A_136 = vector.broadcast %div3A : f32 to vector<1000x64xf32>
    %div3A_137 = arith.divf %div3A_136, %add3A_135 : vector<1000x64xf32>
    %get3A_138 = arith.constant 0 : index
    %get3A_139 = arith.constant 0 : index
    %get3A_140 = arith.constant 0 : index
    %get3A_141 = vector.load %arg5[%get3A_138, %get3A_139, %get3A_140] : memref<2x64x1xf32, #tpu.memory_space<vmem>>, vector<1x64x1xf32>
    %get3A_142 = vector.shape_cast %get3A_141 : vector<1x64x1xf32> to vector<64x1xf32>
    %convert_element_type3A_143 = arith.truncf %div3A_137 : vector<1000x64xf32> to vector<1000x64xbf16>
    %convert_element_type3A_144 = arith.truncf %get3A_142 : vector<64x1xf32> to vector<64x1xbf16>
    %dot_general3A_145 = arith.constant dense<0.000000e+00> : vector<1000x1xf32>
    %dot_general3A_146 = tpu.matmul %convert_element_type3A_143, %convert_element_type3A_144, %dot_general3A_145 {dimension_numbers = #tpu.dot_dimension_numbers<[1], [0], [0], [1], [0, 0, 1, 1], [], []>, transpose_lhs_hint = false} : vector<1000x64xbf16>, vector<64x1xbf16>, vector<1000x1xf32> -> vector<1000x1xf32>
    %get3A_147 = arith.constant 1 : index
    %get3A_148 = arith.constant 0 : index
    %get3A_149 = arith.constant 0 : index
    %get3A_150 = vector.load %arg1[%get3A_147, %get3A_148, %get3A_149] : memref<2x1000x128xf32, #tpu.memory_space<vmem>>, vector<1x1000x128xf32>
    %get3A_151 = vector.shape_cast %get3A_150 : vector<1x1000x128xf32> to vector<1000x128xf32>
    %slice3A_152 = vector.extract_strided_slice %get3A_151 {offsets = [0, 0], sizes = [1000, 8], strides = [1, 1]} : vector<1000x128xf32> to vector<1000x8xf32>
    %slice3A_153 = vector.extract_strided_slice %get3A_151 {offsets = [0, 8], sizes = [1000, 8], strides = [1, 1]} : vector<1000x128xf32> to vector<1000x8xf32>
    %add3A_154 = arith.addf %slice3A_152, %slice3A_153 : vector<1000x8xf32>
    %slice3A_155 = vector.extract_strided_slice %get3A_151 {offsets = [0, 16], sizes = [1000, 8], strides = [1, 1]} : vector<1000x128xf32> to vector<1000x8xf32>
    %add3A_156 = arith.addf %add3A_154, %slice3A_155 : vector<1000x8xf32>
    %slice3A_157 = vector.extract_strided_slice %get3A_151 {offsets = [0, 24], sizes = [1000, 8], strides = [1, 1]} : vector<1000x128xf32> to vector<1000x8xf32>
    %add3A_158 = arith.addf %add3A_156, %slice3A_157 : vector<1000x8xf32>
    %slice3A_159 = vector.extract_strided_slice %get3A_151 {offsets = [0, 32], sizes = [1000, 8], strides = [1, 1]} : vector<1000x128xf32> to vector<1000x8xf32>
    %add3A_160 = arith.addf %add3A_158, %slice3A_159 : vector<1000x8xf32>
    %slice3A_161 = vector.extract_strided_slice %get3A_151 {offsets = [0, 40], sizes = [1000, 8], strides = [1, 1]} : vector<1000x128xf32> to vector<1000x8xf32>
    %add3A_162 = arith.addf %add3A_160, %slice3A_161 : vector<1000x8xf32>
    %slice3A_163 = vector.extract_strided_slice %get3A_151 {offsets = [0, 48], sizes = [1000, 8], strides = [1, 1]} : vector<1000x128xf32> to vector<1000x8xf32>
    %add3A_164 = arith.addf %add3A_162, %slice3A_163 : vector<1000x8xf32>
    %slice3A_165 = vector.extract_strided_slice %get3A_151 {offsets = [0, 56], sizes = [1000, 8], strides = [1, 1]} : vector<1000x128xf32> to vector<1000x8xf32>
    %add3A_166 = arith.addf %add3A_164, %slice3A_165 : vector<1000x8xf32>
    %slice3A_167 = vector.extract_strided_slice %get3A_151 {offsets = [0, 64], sizes = [1000, 8], strides = [1, 1]} : vector<1000x128xf32> to vector<1000x8xf32>
    %add3A_168 = arith.addf %add3A_166, %slice3A_167 : vector<1000x8xf32>
    %slice3A_169 = vector.extract_strided_slice %get3A_151 {offsets = [0, 72], sizes = [1000, 8], strides = [1, 1]} : vector<1000x128xf32> to vector<1000x8xf32>
    %add3A_170 = arith.addf %add3A_168, %slice3A_169 : vector<1000x8xf32>
    %slice3A_171 = vector.extract_strided_slice %get3A_151 {offsets = [0, 80], sizes = [1000, 8], strides = [1, 1]} : vector<1000x128xf32> to vector<1000x8xf32>
    %add3A_172 = arith.addf %add3A_170, %slice3A_171 : vector<1000x8xf32>
    %slice3A_173 = vector.extract_strided_slice %get3A_151 {offsets = [0, 88], sizes = [1000, 8], strides = [1, 1]} : vector<1000x128xf32> to vector<1000x8xf32>
    %add3A_174 = arith.addf %add3A_172, %slice3A_173 : vector<1000x8xf32>
    %slice3A_175 = vector.extract_strided_slice %get3A_151 {offsets = [0, 96], sizes = [1000, 8], strides = [1, 1]} : vector<1000x128xf32> to vector<1000x8xf32>
    %add3A_176 = arith.addf %add3A_174, %slice3A_175 : vector<1000x8xf32>
    %slice3A_177 = vector.extract_strided_slice %get3A_151 {offsets = [0, 104], sizes = [1000, 8], strides = [1, 1]} : vector<1000x128xf32> to vector<1000x8xf32>
    %add3A_178 = arith.addf %add3A_176, %slice3A_177 : vector<1000x8xf32>
    %slice3A_179 = vector.extract_strided_slice %get3A_151 {offsets = [0, 112], sizes = [1000, 8], strides = [1, 1]} : vector<1000x128xf32> to vector<1000x8xf32>
    %add3A_180 = arith.addf %add3A_178, %slice3A_179 : vector<1000x8xf32>
    %slice3A_181 = vector.extract_strided_slice %get3A_151 {offsets = [0, 120], sizes = [1000, 8], strides = [1, 1]} : vector<1000x128xf32> to vector<1000x8xf32>
    %add3A_182 = arith.addf %add3A_180, %slice3A_181 : vector<1000x8xf32>
    %slice3A_183 = vector.extract_strided_slice %add3A_182 {offsets = [0, 0], sizes = [1000, 1], strides = [1, 1]} : vector<1000x8xf32> to vector<1000x1xf32>
    %slice3A_184 = vector.extract_strided_slice %add3A_182 {offsets = [0, 4], sizes = [1000, 1], strides = [1, 1]} : vector<1000x8xf32> to vector<1000x1xf32>
    %add3A_185 = arith.addf %slice3A_183, %slice3A_184 : vector<1000x1xf32>
    %slice3A_186 = vector.extract_strided_slice %add3A_182 {offsets = [0, 2], sizes = [1000, 1], strides = [1, 1]} : vector<1000x8xf32> to vector<1000x1xf32>
    %slice3A_187 = vector.extract_strided_slice %add3A_182 {offsets = [0, 6], sizes = [1000, 1], strides = [1, 1]} : vector<1000x8xf32> to vector<1000x1xf32>
    %add3A_188 = arith.addf %slice3A_186, %slice3A_187 : vector<1000x1xf32>
    %slice3A_189 = vector.extract_strided_slice %add3A_182 {offsets = [0, 1], sizes = [1000, 1], strides = [1, 1]} : vector<1000x8xf32> to vector<1000x1xf32>
    %slice3A_190 = vector.extract_strided_slice %add3A_182 {offsets = [0, 5], sizes = [1000, 1], strides = [1, 1]} : vector<1000x8xf32> to vector<1000x1xf32>
    %add3A_191 = arith.addf %slice3A_189, %slice3A_190 : vector<1000x1xf32>
    %slice3A_192 = vector.extract_strided_slice %add3A_182 {offsets = [0, 3], sizes = [1000, 1], strides = [1, 1]} : vector<1000x8xf32> to vector<1000x1xf32>
    %slice3A_193 = vector.extract_strided_slice %add3A_182 {offsets = [0, 7], sizes = [1000, 1], strides = [1, 1]} : vector<1000x8xf32> to vector<1000x1xf32>
    %add3A_194 = arith.addf %slice3A_192, %slice3A_193 : vector<1000x1xf32>
    %add3A_195 = arith.addf %add3A_185, %add3A_188 : vector<1000x1xf32>
    %add3A_196 = arith.addf %add3A_191, %add3A_194 : vector<1000x1xf32>
    %add3A_197 = arith.addf %add3A_195, %add3A_196 : vector<1000x1xf32>
    %mul3A_198 = arith.constant 7.812500e-03 : f32
    %mul3A_199 = vector.broadcast %mul3A_198 : f32 to vector<1000x1xf32>
    %mul3A_200 = arith.mulf %add3A_197, %mul3A_199 : vector<1000x1xf32>
    %sub3A_201 = vector.broadcast %mul3A_200 : vector<1000x1xf32> to vector<1000x128xf32>
    %sub3A_202 = arith.subf %get3A_151, %sub3A_201 : vector<1000x128xf32>
    %mul3A_203 = arith.mulf %sub3A_202, %sub3A_202 : vector<1000x128xf32>
    %slice3A_204 = vector.extract_strided_slice %mul3A_203 {offsets = [0, 0], sizes = [1000, 8], strides = [1, 1]} : vector<1000x128xf32> to vector<1000x8xf32>
    %slice3A_205 = vector.extract_strided_slice %mul3A_203 {offsets = [0, 8], sizes = [1000, 8], strides = [1, 1]} : vector<1000x128xf32> to vector<1000x8xf32>
    %add3A_206 = arith.addf %slice3A_204, %slice3A_205 : vector<1000x8xf32>
    %slice3A_207 = vector.extract_strided_slice %mul3A_203 {offsets = [0, 16], sizes = [1000, 8], strides = [1, 1]} : vector<1000x128xf32> to vector<1000x8xf32>
    %add3A_208 = arith.addf %add3A_206, %slice3A_207 : vector<1000x8xf32>
    %slice3A_209 = vector.extract_strided_slice %mul3A_203 {offsets = [0, 24], sizes = [1000, 8], strides = [1, 1]} : vector<1000x128xf32> to vector<1000x8xf32>
    %add3A_210 = arith.addf %add3A_208, %slice3A_209 : vector<1000x8xf32>
    %slice3A_211 = vector.extract_strided_slice %mul3A_203 {offsets = [0, 32], sizes = [1000, 8], strides = [1, 1]} : vector<1000x128xf32> to vector<1000x8xf32>
    %add3A_212 = arith.addf %add3A_210, %slice3A_211 : vector<1000x8xf32>
    %slice3A_213 = vector.extract_strided_slice %mul3A_203 {offsets = [0, 40], sizes = [1000, 8], strides = [1, 1]} : vector<1000x128xf32> to vector<1000x8xf32>
    %add3A_214 = arith.addf %add3A_212, %slice3A_213 : vector<1000x8xf32>
    %slice3A_215 = vector.extract_strided_slice %mul3A_203 {offsets = [0, 48], sizes = [1000, 8], strides = [1, 1]} : vector<1000x128xf32> to vector<1000x8xf32>
    %add3A_216 = arith.addf %add3A_214, %slice3A_215 : vector<1000x8xf32>
    %slice3A_217 = vector.extract_strided_slice %mul3A_203 {offsets = [0, 56], sizes = [1000, 8], strides = [1, 1]} : vector<1000x128xf32> to vector<1000x8xf32>
    %add3A_218 = arith.addf %add3A_216, %slice3A_217 : vector<1000x8xf32>
    %slice3A_219 = vector.extract_strided_slice %mul3A_203 {offsets = [0, 64], sizes = [1000, 8], strides = [1, 1]} : vector<1000x128xf32> to vector<1000x8xf32>
    %add3A_220 = arith.addf %add3A_218, %slice3A_219 : vector<1000x8xf32>
    %slice3A_221 = vector.extract_strided_slice %mul3A_203 {offsets = [0, 72], sizes = [1000, 8], strides = [1, 1]} : vector<1000x128xf32> to vector<1000x8xf32>
    %add3A_222 = arith.addf %add3A_220, %slice3A_221 : vector<1000x8xf32>
    %slice3A_223 = vector.extract_strided_slice %mul3A_203 {offsets = [0, 80], sizes = [1000, 8], strides = [1, 1]} : vector<1000x128xf32> to vector<1000x8xf32>
    %add3A_224 = arith.addf %add3A_222, %slice3A_223 : vector<1000x8xf32>
    %slice3A_225 = vector.extract_strided_slice %mul3A_203 {offsets = [0, 88], sizes = [1000, 8], strides = [1, 1]} : vector<1000x128xf32> to vector<1000x8xf32>
    %add3A_226 = arith.addf %add3A_224, %slice3A_225 : vector<1000x8xf32>
    %slice3A_227 = vector.extract_strided_slice %mul3A_203 {offsets = [0, 96], sizes = [1000, 8], strides = [1, 1]} : vector<1000x128xf32> to vector<1000x8xf32>
    %add3A_228 = arith.addf %add3A_226, %slice3A_227 : vector<1000x8xf32>
    %slice3A_229 = vector.extract_strided_slice %mul3A_203 {offsets = [0, 104], sizes = [1000, 8], strides = [1, 1]} : vector<1000x128xf32> to vector<1000x8xf32>
    %add3A_230 = arith.addf %add3A_228, %slice3A_229 : vector<1000x8xf32>
    %slice3A_231 = vector.extract_strided_slice %mul3A_203 {offsets = [0, 112], sizes = [1000, 8], strides = [1, 1]} : vector<1000x128xf32> to vector<1000x8xf32>
    %add3A_232 = arith.addf %add3A_230, %slice3A_231 : vector<1000x8xf32>
    %slice3A_233 = vector.extract_strided_slice %mul3A_203 {offsets = [0, 120], sizes = [1000, 8], strides = [1, 1]} : vector<1000x128xf32> to vector<1000x8xf32>
    %add3A_234 = arith.addf %add3A_232, %slice3A_233 : vector<1000x8xf32>
    %slice3A_235 = vector.extract_strided_slice %add3A_234 {offsets = [0, 0], sizes = [1000, 1], strides = [1, 1]} : vector<1000x8xf32> to vector<1000x1xf32>
    %slice3A_236 = vector.extract_strided_slice %add3A_234 {offsets = [0, 4], sizes = [1000, 1], strides = [1, 1]} : vector<1000x8xf32> to vector<1000x1xf32>
    %add3A_237 = arith.addf %slice3A_235, %slice3A_236 : vector<1000x1xf32>
    %slice3A_238 = vector.extract_strided_slice %add3A_234 {offsets = [0, 2], sizes = [1000, 1], strides = [1, 1]} : vector<1000x8xf32> to vector<1000x1xf32>
    %slice3A_239 = vector.extract_strided_slice %add3A_234 {offsets = [0, 6], sizes = [1000, 1], strides = [1, 1]} : vector<1000x8xf32> to vector<1000x1xf32>
    %add3A_240 = arith.addf %slice3A_238, %slice3A_239 : vector<1000x1xf32>
    %slice3A_241 = vector.extract_strided_slice %add3A_234 {offsets = [0, 1], sizes = [1000, 1], strides = [1, 1]} : vector<1000x8xf32> to vector<1000x1xf32>
    %slice3A_242 = vector.extract_strided_slice %add3A_234 {offsets = [0, 5], sizes = [1000, 1], strides = [1, 1]} : vector<1000x8xf32> to vector<1000x1xf32>
    %add3A_243 = arith.addf %slice3A_241, %slice3A_242 : vector<1000x1xf32>
    %slice3A_244 = vector.extract_strided_slice %add3A_234 {offsets = [0, 3], sizes = [1000, 1], strides = [1, 1]} : vector<1000x8xf32> to vector<1000x1xf32>
    %slice3A_245 = vector.extract_strided_slice %add3A_234 {offsets = [0, 7], sizes = [1000, 1], strides = [1, 1]} : vector<1000x8xf32> to vector<1000x1xf32>
    %add3A_246 = arith.addf %slice3A_244, %slice3A_245 : vector<1000x1xf32>
    %add3A_247 = arith.addf %add3A_237, %add3A_240 : vector<1000x1xf32>
    %add3A_248 = arith.addf %add3A_243, %add3A_246 : vector<1000x1xf32>
    %add3A_249 = arith.addf %add3A_247, %add3A_248 : vector<1000x1xf32>
    %mul3A_250 = arith.constant 7.812500e-03 : f32
    %mul3A_251 = vector.broadcast %mul3A_250 : f32 to vector<1000x1xf32>
    %mul3A_252 = arith.mulf %add3A_249, %mul3A_251 : vector<1000x1xf32>
    %add3A_253 = arith.constant 9.99999974E-6 : f32
    %add3A_254 = vector.broadcast %add3A_253 : f32 to vector<1000x1xf32>
    %add3A_255 = arith.addf %mul3A_252, %add3A_254 : vector<1000x1xf32>
    %rsqrt3A_256 = math.rsqrt %add3A_255 : vector<1000x1xf32>
    %mul3A_257 = arith.constant 5.000000e-01 : f32
    %mul3A_258 = vector.broadcast %mul3A_257 : f32 to vector<1000x1xf32>
    %mul3A_259 = arith.mulf %mul3A_258, %add3A_255 : vector<1000x1xf32>
    %mul3A_260 = arith.mulf %mul3A_259, %rsqrt3A_256 : vector<1000x1xf32>
    %mul3A_261 = arith.mulf %mul3A_260, %rsqrt3A_256 : vector<1000x1xf32>
    %sub3A_262 = arith.constant 1.500000e+00 : f32
    %sub3A_263 = vector.broadcast %sub3A_262 : f32 to vector<1000x1xf32>
    %sub3A_264 = arith.subf %sub3A_263, %mul3A_261 : vector<1000x1xf32>
    %mul3A_265 = arith.mulf %rsqrt3A_256, %sub3A_264 : vector<1000x1xf32>
    %mul3A_266 = vector.broadcast %mul3A_265 : vector<1000x1xf32> to vector<1000x128xf32>
    %mul3A_267 = arith.mulf %sub3A_202, %mul3A_266 : vector<1000x128xf32>
    %broadcast_in_dim3A_268 = vector.shape_cast %get3A_0 : vector<128xf32> to vector<1x128xf32>
    %mul3A_269 = vector.broadcast %broadcast_in_dim3A_268 : vector<1x128xf32> to vector<1000x128xf32>
    %mul3A_270 = arith.mulf %mul3A_267, %mul3A_269 : vector<1000x128xf32>
    %broadcast_in_dim3A_271 = vector.shape_cast %get3A_2 : vector<128xf32> to vector<1x128xf32>
    %add3A_272 = vector.broadcast %broadcast_in_dim3A_271 : vector<1x128xf32> to vector<1000x128xf32>
    %add3A_273 = arith.addf %mul3A_270, %add3A_272 : vector<1000x128xf32>
    %get3A_274 = arith.constant 1 : index
    %get3A_275 = arith.constant 0 : index
    %get3A_276 = arith.constant 0 : index
    %get3A_277 = vector.load %arg4[%get3A_274, %get3A_275, %get3A_276] : memref<2x128x64xf32, #tpu.memory_space<vmem>>, vector<1x128x64xf32>
    %get3A_278 = vector.shape_cast %get3A_277 : vector<1x128x64xf32> to vector<128x64xf32>
    %convert_element_type3A_279 = arith.truncf %add3A_273 : vector<1000x128xf32> to vector<1000x128xbf16>
    %convert_element_type3A_280 = arith.truncf %get3A_278 : vector<128x64xf32> to vector<128x64xbf16>
    %dot_general3A_281 = arith.constant dense<0.000000e+00> : vector<1000x64xf32>
    %dot_general3A_282 = tpu.matmul %convert_element_type3A_279, %convert_element_type3A_280, %dot_general3A_281 {dimension_numbers = #tpu.dot_dimension_numbers<[1], [0], [0], [1], [0, 0, 1, 1], [], []>, transpose_lhs_hint = false} : vector<1000x128xbf16>, vector<128x64xbf16>, vector<1000x64xf32> -> vector<1000x64xf32>
    %neg3A_283 = arith.constant 0.000000e+00 : f32
    %neg3A_284 = vector.broadcast %neg3A_283 : f32 to vector<1000x64xf32>
    %neg3A_285 = arith.subf %neg3A_284, %dot_general3A_282 : vector<1000x64xf32>
    %exp3A_286 = math.exp %neg3A_285 : vector<1000x64xf32>
    %add3A_287 = arith.constant 1.000000e+00 : f32
    %add3A_288 = vector.broadcast %add3A_287 : f32 to vector<1000x64xf32>
    %add3A_289 = arith.addf %add3A_288, %exp3A_286 : vector<1000x64xf32>
    %div3A_290 = arith.constant 1.000000e+00 : f32
    %div3A_291 = vector.broadcast %div3A_290 : f32 to vector<1000x64xf32>
    %div3A_292 = arith.divf %div3A_291, %add3A_289 : vector<1000x64xf32>
    %get3A_293 = arith.constant 1 : index
    %get3A_294 = arith.constant 0 : index
    %get3A_295 = arith.constant 0 : index
    %get3A_296 = vector.load %arg5[%get3A_293, %get3A_294, %get3A_295] : memref<2x64x1xf32, #tpu.memory_space<vmem>>, vector<1x64x1xf32>
    %get3A_297 = vector.shape_cast %get3A_296 : vector<1x64x1xf32> to vector<64x1xf32>
    %convert_element_type3A_298 = arith.truncf %div3A_292 : vector<1000x64xf32> to vector<1000x64xbf16>
    %convert_element_type3A_299 = arith.truncf %get3A_297 : vector<64x1xf32> to vector<64x1xbf16>
    %dot_general3A_300 = arith.constant dense<0.000000e+00> : vector<1000x1xf32>
    %dot_general3A_301 = tpu.matmul %convert_element_type3A_298, %convert_element_type3A_299, %dot_general3A_300 {dimension_numbers = #tpu.dot_dimension_numbers<[1], [0], [0], [1], [0, 0, 1, 1], [], []>, transpose_lhs_hint = false} : vector<1000x64xbf16>, vector<64x1xbf16>, vector<1000x1xf32> -> vector<1000x1xf32>
    %max3A = arith.maximumf %dot_general3A_146, %dot_general3A_301 : vector<1000x1xf32>
    %sub3A_302 = arith.subf %dot_general3A_146, %max3A : vector<1000x1xf32>
    %exp3A_303 = math.exp %sub3A_302 : vector<1000x1xf32>
    %sub3A_304 = arith.subf %dot_general3A_301, %max3A : vector<1000x1xf32>
    %exp3A_305 = math.exp %sub3A_304 : vector<1000x1xf32>
    %add3A_306 = arith.addf %exp3A_303, %exp3A_305 : vector<1000x1xf32>
    %div3A_307 = arith.constant 1.000000e+00 : f32
    %div3A_308 = vector.broadcast %div3A_307 : f32 to vector<1000x1xf32>
    %div3A_309 = arith.divf %div3A_308, %add3A_306 : vector<1000x1xf32>
    %mul3A_310 = arith.mulf %exp3A_303, %div3A_309 : vector<1000x1xf32>
    %mul3A_311 = vector.broadcast %mul3A_310 : vector<1000x1xf32> to vector<1000x128xf32>
    %mul3A_312 = arith.mulf %mul3A_311, %add3A_123 : vector<1000x128xf32>
    %mul3A_313 = arith.mulf %exp3A_305, %div3A_309 : vector<1000x1xf32>
    %mul3A_314 = vector.broadcast %mul3A_313 : vector<1000x1xf32> to vector<1000x128xf32>
    %mul3A_315 = arith.mulf %mul3A_314, %add3A_273 : vector<1000x128xf32>
    %add3A_316 = arith.addf %mul3A_312, %mul3A_315 : vector<1000x128xf32>
    %swap3A = arith.constant 0 : index
    %swap3A_317 = arith.constant 0 : index
    %swap3A_318 = vector.load %arg8[%swap3A, %swap3A_317] : memref<1000x128xf32, #tpu.memory_space<vmem>>, vector<1000x128xf32>
    tpu.vector_store %arg8[%swap3A, %swap3A_317], %add3A_316 {strides = array<i32>} : memref<1000x128xf32, #tpu.memory_space<vmem>>, vector<1000x128xf32>,
    %get3A_319 = arith.constant 0 : index
    %get3A_320 = arith.constant 0 : index
    %get3A_321 = vector.load %arg6[%get3A_319, %get3A_320] : memref<128x1xf32, #tpu.memory_space<vmem>>, vector<128x1xf32>
    %convert_element_type3A_322 = arith.truncf %add3A_316 : vector<1000x128xf32> to vector<1000x128xbf16>
    %convert_element_type3A_323 = arith.truncf %get3A_321 : vector<128x1xf32> to vector<128x1xbf16>
    %dot_general3A_324 = arith.constant dense<0.000000e+00> : vector<1000x1xf32>
    %dot_general3A_325 = tpu.matmul %convert_element_type3A_322, %convert_element_type3A_323, %dot_general3A_324 {dimension_numbers = #tpu.dot_dimension_numbers<[1], [0], [0], [1], [0, 0, 1, 1], [], []>, transpose_lhs_hint = false} : vector<1000x128xbf16>, vector<128x1xbf16>, vector<1000x1xf32> -> vector<1000x1xf32>
    %get3A_326 = arith.constant 0 : index
    %get3A_327 = vector.load %arg7[%get3A_326] : memref<1xf32, #tpu.memory_space<vmem>>, vector<1xf32>
    %broadcast_in_dim3A_328 = vector.shape_cast %get3A_327 : vector<1xf32> to vector<1x1xf32>
    %add3A_329 = vector.broadcast %broadcast_in_dim3A_328 : vector<1x1xf32> to vector<1000x1xf32>
    %add3A_330 = arith.addf %dot_general3A_325, %add3A_329 : vector<1000x1xf32>
    %swap3A_331 = arith.constant 0 : index
    %swap3A_332 = arith.constant 0 : index
    %swap3A_333 = vector.load %arg9[%swap3A_331, %swap3A_332] : memref<1000x1xf32, #tpu.memory_space<vmem>>, vector<1000x1xf32>
    tpu.vector_store %arg9[%swap3A_331, %swap3A_332], %add3A_330 {strides = array<i32>} : memref<1000x1xf32, #tpu.memory_space<vmem>>, vector<1000x1xf32>,
    return
  }
  func.func @transform_0(%arg0: i32) -> (i32, i32, i32) {
    %c0_i32 = arith.constant 0 : i32
    %c0_i32_0 = arith.constant 0 : i32
    %c0_i32_1 = arith.constant 0 : i32
    return %c0_i32, %arg0, %c0_i32_0 : i32, i32, i32
  }
  func.func @transform_1(%arg0: i32) -> i32 {
    %c0_i32 = arith.constant 0 : i32
    %c0_i32_0 = arith.constant 0 : i32
    return %c0_i32 : i32
  }
  func.func @transform_2(%arg0: i32) -> i32 {
    %c0_i32 = arith.constant 0 : i32
    %c0_i32_0 = arith.constant 0 : i32
    return %c0_i32 : i32
  }
  func.func @transform_3(%arg0: i32) -> (i32, i32, i32) {
    %c0_i32 = arith.constant 0 : i32
    %c0_i32_0 = arith.constant 0 : i32
    %c0_i32_1 = arith.constant 0 : i32
    %c0_i32_2 = arith.constant 0 : i32
    return %c0_i32, %c0_i32_0, %c0_i32_1 : i32, i32, i32
  }
  func.func @transform_4(%arg0: i32) -> (i32, i32, i32) {
    %c0_i32 = arith.constant 0 : i32
    %c0_i32_0 = arith.constant 0 : i32
    %c0_i32_1 = arith.constant 0 : i32
    %c0_i32_2 = arith.constant 0 : i32
    return %c0_i32, %c0_i32_0, %c0_i32_1 : i32, i32, i32
  }
  func.func @transform_5(%arg0: i32) -> (i32, i32) {
    %c0_i32 = arith.constant 0 : i32
    %c0_i32_0 = arith.constant 0 : i32
    %c0_i32_1 = arith.constant 0 : i32
    return %c0_i32, %c0_i32_0 : i32, i32
  }
  func.func @transform_6(%arg0: i32) -> i32 {
    %c0_i32 = arith.constant 0 : i32
    %c0_i32_0 = arith.constant 0 : i32
    return %c0_i32 : i32
  }
  func.func @transform_7(%arg0: i32) -> (i32, i32) {
    %c0_i32 = arith.constant 0 : i32
    %c0_i32_0 = arith.constant 0 : i32
    return %arg0, %c0_i32 : i32, i32
  }
  func.func @transform_8(%arg0: i32) -> (i32, i32) {
    %c0_i32 = arith.constant 0 : i32
    %c0_i32_0 = arith.constant 0 : i32
    return %arg0, %c0_i32 : i32, i32
  }
}

module attributes {stable_mosaic.version = 14 : i64} {
  func.func @_pool_block_body(%arg0: i32, %arg1: memref<2000x128xf32, #tpu.memory_space<vmem>>, %arg2: memref<2000x1xf32, #tpu.memory_space<vmem>>, %arg3: memref<1x1x2000xf32, #tpu.memory_space<vmem>>, %arg4: memref<1x1x1xf32, #tpu.memory_space<vmem>>, %arg5: memref<1x1x1xf32, #tpu.memory_space<vmem>>, %arg6: memref<1x1x128xf32, #tpu.memory_space<vmem>>) attributes {dimension_semantics = [#tpu.dimension_semantics<arbitrary>], iteration_bounds = array<i64: 5>, scalar_prefetch = 0 : i64, scratch_operands = 0 : i64, tpu.core_type = #tpu.core_type<tc>, window_params = [{transform_indices = @transform_0, window_bounds = array<i64: 2000, 128>}, {transform_indices = @transform_1, window_bounds = array<i64: 2000, 1>}, {transform_indices = @transform_2, window_bounds = array<i64: 1, 1, 2000>}, {transform_indices = @transform_3, window_bounds = array<i64: 1, 1, 1>}, {transform_indices = @transform_4, window_bounds = array<i64: 1, 1, 1>}, {transform_indices = @transform_5, window_bounds = array<i64: 1, 1, 128>}]} {
    %get3A = arith.constant 0 : index
    %get3A_0 = arith.constant 0 : index
    %get3A_1 = vector.load %arg2[%get3A, %get3A_0] : memref<2000x1xf32, #tpu.memory_space<vmem>>, vector<2000x1xf32>
    %transpose3A = tpu.transpose %get3A_1, [1, 0] : vector<2000x1xf32> -> vector<1x2000xf32>
    %reshape3A = vector.shape_cast %transpose3A : vector<1x2000xf32> to vector<1x1x2000xf32>
    %swap3A = arith.constant 0 : index
    %swap3A_2 = arith.constant 0 : index
    %swap3A_3 = arith.constant 0 : index
    %swap3A_4 = vector.load %arg3[%swap3A, %swap3A_2, %swap3A_3] : memref<1x1x2000xf32, #tpu.memory_space<vmem>>, vector<1x1x2000xf32>
    tpu.vector_store %arg3[%swap3A, %swap3A_2, %swap3A_3], %reshape3A {strides = array<i32>} : memref<1x1x2000xf32, #tpu.memory_space<vmem>>, vector<1x1x2000xf32>,
    %reduce_max3A = vector.shape_cast %transpose3A : vector<1x2000xf32> to vector<1x1x2000xf32>
    %reduce_max3A_5 = arith.constant dense<0xFF800000> : vector<1xf32>
    %reduce_max3A_6 = vector.multi_reduction <maximumf>, %reduce_max3A, %reduce_max3A_5 [1, 2] : vector<1x1x2000xf32> to vector<1xf32>
    %reduce_max3A_7 = vector.shape_cast %reduce_max3A_6 : vector<1xf32> to vector<1x1x1xf32>
    %reduce_max3A_8 = vector.extract %reduce_max3A_7[0, 0, 0] : f32 from vector<1x1x1xf32>
    %sub3A = vector.broadcast %reduce_max3A_8 : f32 to vector<2000x1xf32>
    %sub3A_9 = arith.subf %get3A_1, %sub3A : vector<2000x1xf32>
    %exp3A = math.exp %sub3A_9 : vector<2000x1xf32>
    %reduce_sum3A = vector.shape_cast %exp3A : vector<2000x1xf32> to vector<1x2000x1xf32>
    %reduce_sum3A_10 = arith.constant dense<0.000000e+00> : vector<1xf32>
    %reduce_sum3A_11 = vector.multi_reduction <add>, %reduce_sum3A, %reduce_sum3A_10 [1, 2] : vector<1x2000x1xf32> to vector<1xf32>
    %reduce_sum3A_12 = vector.shape_cast %reduce_sum3A_11 : vector<1xf32> to vector<1x1x1xf32>
    %reduce_sum3A_13 = vector.extract %reduce_sum3A_12[0, 0, 0] : f32 from vector<1x1x1xf32>
    %get3A_14 = arith.constant 0 : index
    %get3A_15 = arith.constant 0 : index
    %get3A_16 = vector.load %arg1[%get3A_14, %get3A_15] : memref<2000x128xf32, #tpu.memory_space<vmem>>, vector<2000x128xf32>
    %mul3A = vector.broadcast %exp3A : vector<2000x1xf32> to vector<2000x128xf32>
    %mul3A_17 = arith.mulf %mul3A, %get3A_16 : vector<2000x128xf32>
    %reduce_sum3A_18 = arith.constant dense<0.000000e+00> : vector<128xf32>
    %reduce_sum3A_19 = vector.multi_reduction <add>, %mul3A_17, %reduce_sum3A_18 [0] : vector<2000x128xf32> to vector<128xf32>
    %reshape3A_20 = vector.broadcast %reduce_max3A_8 : f32 to vector<1x1x1xf32>
    %swap3A_21 = arith.constant 0 : index
    %swap3A_22 = arith.constant 0 : index
    %swap3A_23 = arith.constant 0 : index
    %swap3A_24 = vector.load %arg4[%swap3A_21, %swap3A_22, %swap3A_23] : memref<1x1x1xf32, #tpu.memory_space<vmem>>, vector<1x1x1xf32>
    tpu.vector_store %arg4[%swap3A_21, %swap3A_22, %swap3A_23], %reshape3A_20 {strides = array<i32>} : memref<1x1x1xf32, #tpu.memory_space<vmem>>, vector<1x1x1xf32>,
    %reshape3A_25 = vector.broadcast %reduce_sum3A_13 : f32 to vector<1x1x1xf32>
    %swap3A_26 = arith.constant 0 : index
    %swap3A_27 = arith.constant 0 : index
    %swap3A_28 = arith.constant 0 : index
    %swap3A_29 = vector.load %arg5[%swap3A_26, %swap3A_27, %swap3A_28] : memref<1x1x1xf32, #tpu.memory_space<vmem>>, vector<1x1x1xf32>
    tpu.vector_store %arg5[%swap3A_26, %swap3A_27, %swap3A_28], %reshape3A_25 {strides = array<i32>} : memref<1x1x1xf32, #tpu.memory_space<vmem>>, vector<1x1x1xf32>,
    %reshape3A_30 = vector.shape_cast %reduce_sum3A_19 : vector<128xf32> to vector<1x1x128xf32>
    %swap3A_31 = arith.constant 0 : index
    %swap3A_32 = arith.constant 0 : index
    %swap3A_33 = arith.constant 0 : index
    %swap3A_34 = vector.load %arg6[%swap3A_31, %swap3A_32, %swap3A_33] : memref<1x1x128xf32, #tpu.memory_space<vmem>>, vector<1x1x128xf32>
    tpu.vector_store %arg6[%swap3A_31, %swap3A_32, %swap3A_33], %reshape3A_30 {strides = array<i32>} : memref<1x1x128xf32, #tpu.memory_space<vmem>>, vector<1x1x128xf32>,
    return
  }
  func.func @transform_0(%arg0: i32) -> (i32, i32) {
    %c0_i32 = arith.constant 0 : i32
    %c0_i32_0 = arith.constant 0 : i32
    return %arg0, %c0_i32 : i32, i32
  }
  func.func @transform_1(%arg0: i32) -> (i32, i32) {
    %c0_i32 = arith.constant 0 : i32
    %c0_i32_0 = arith.constant 0 : i32
    return %arg0, %c0_i32 : i32, i32
  }
  func.func @transform_2(%arg0: i32) -> (i32, i32, i32) {
    %c0_i32 = arith.constant 0 : i32
    %c0_i32_0 = arith.constant 0 : i32
    %c0_i32_1 = arith.constant 0 : i32
    return %arg0, %c0_i32, %c0_i32_0 : i32, i32, i32
  }
  func.func @transform_3(%arg0: i32) -> (i32, i32, i32) {
    %c0_i32 = arith.constant 0 : i32
    %c0_i32_0 = arith.constant 0 : i32
    %c0_i32_1 = arith.constant 0 : i32
    return %arg0, %c0_i32, %c0_i32_0 : i32, i32, i32
  }
  func.func @transform_4(%arg0: i32) -> (i32, i32, i32) {
    %c0_i32 = arith.constant 0 : i32
    %c0_i32_0 = arith.constant 0 : i32
    %c0_i32_1 = arith.constant 0 : i32
    return %arg0, %c0_i32, %c0_i32_0 : i32, i32, i32
  }
  func.func @transform_5(%arg0: i32) -> (i32, i32, i32) {
    %c0_i32 = arith.constant 0 : i32
    %c0_i32_0 = arith.constant 0 : i32
    %c0_i32_1 = arith.constant 0 : i32
    return %arg0, %c0_i32, %c0_i32_0 : i32, i32, i32
  }
}

module attributes {stable_mosaic.version = 14 : i64} {
  func.func @_pool_merge_body(%arg0: memref<5x1x2000xf32, #tpu.memory_space<vmem>>, %arg1: memref<5x1x1xf32, #tpu.memory_space<vmem>>, %arg2: memref<5x1x1xf32, #tpu.memory_space<vmem>>, %arg3: memref<5x1x128xf32, #tpu.memory_space<vmem>>, %arg4: memref<128x128xf32, #tpu.memory_space<vmem>>, %arg5: memref<128xf32, #tpu.memory_space<vmem>>, %arg6: memref<128x1xf32, #tpu.memory_space<vmem>>, %arg7: memref<1xf32, #tpu.memory_space<vmem>>, %arg8: memref<1x1xf32, #tpu.memory_space<vmem>>, %arg9: memref<1x10xf32, #tpu.memory_space<vmem>>, %arg10: memref<1x10xi32, #tpu.memory_space<vmem>>) attributes {dimension_semantics = [], scalar_prefetch = 0 : i64, scratch_operands = 0 : i64, tpu.core_type = #tpu.core_type<tc>} {
    %get3A = arith.constant 0 : index
    %get3A_0 = arith.constant 0 : index
    %get3A_1 = arith.constant 0 : index
    %get3A_2 = vector.load %arg0[%get3A, %get3A_0, %get3A_1] : memref<5x1x2000xf32, #tpu.memory_space<vmem>>, vector<5x1x2000xf32>
    %reshape3A = vector.shape_cast %get3A_2 : vector<5x1x2000xf32> to vector<5x2000xf32>
    %get3A_3 = arith.constant 0 : index
    %get3A_4 = arith.constant 0 : index
    %get3A_5 = arith.constant 0 : index
    %get3A_6 = vector.load %arg1[%get3A_3, %get3A_4, %get3A_5] : memref<5x1x1xf32, #tpu.memory_space<vmem>>, vector<5x1x1xf32>
    %reshape3A_7 = vector.shape_cast %get3A_6 : vector<5x1x1xf32> to vector<5x1xf32>
    %get3A_8 = arith.constant 0 : index
    %get3A_9 = arith.constant 0 : index
    %get3A_10 = arith.constant 0 : index
    %get3A_11 = vector.load %arg2[%get3A_8, %get3A_9, %get3A_10] : memref<5x1x1xf32, #tpu.memory_space<vmem>>, vector<5x1x1xf32>
    %reshape3A_12 = vector.shape_cast %get3A_11 : vector<5x1x1xf32> to vector<5x1xf32>
    %reduce_max3A = vector.shape_cast %reshape3A_7 : vector<5x1xf32> to vector<1x5x1xf32>
    %reduce_max3A_13 = arith.constant dense<0xFF800000> : vector<1xf32>
    %reduce_max3A_14 = vector.multi_reduction <maximumf>, %reduce_max3A, %reduce_max3A_13 [1, 2] : vector<1x5x1xf32> to vector<1xf32>
    %reduce_max3A_15 = vector.shape_cast %reduce_max3A_14 : vector<1xf32> to vector<1x1x1xf32>
    %reduce_max3A_16 = vector.extract %reduce_max3A_15[0, 0, 0] : f32 from vector<1x1x1xf32>
    %sub3A = vector.broadcast %reduce_max3A_16 : f32 to vector<5x1xf32>
    %sub3A_17 = arith.subf %reshape3A_7, %sub3A : vector<5x1xf32>
    %exp3A = math.exp %sub3A_17 : vector<5x1xf32>
    %mul3A = arith.mulf %reshape3A_12, %exp3A : vector<5x1xf32>
    %reduce_sum3A = vector.shape_cast %mul3A : vector<5x1xf32> to vector<1x5x1xf32>
    %reduce_sum3A_18 = arith.constant dense<0.000000e+00> : vector<1xf32>
    %reduce_sum3A_19 = vector.multi_reduction <add>, %reduce_sum3A, %reduce_sum3A_18 [1, 2] : vector<1x5x1xf32> to vector<1xf32>
    %reduce_sum3A_20 = vector.shape_cast %reduce_sum3A_19 : vector<1xf32> to vector<1x1x1xf32>
    %reduce_sum3A_21 = vector.extract %reduce_sum3A_20[0, 0, 0] : f32 from vector<1x1x1xf32>
    %div3A = arith.constant 1.000000e+00 : f32
    %div3A_22 = arith.divf %div3A, %reduce_sum3A_21 : f32
    %get3A_23 = arith.constant 0 : index
    %get3A_24 = arith.constant 0 : index
    %get3A_25 = arith.constant 0 : index
    %get3A_26 = vector.load %arg3[%get3A_23, %get3A_24, %get3A_25] : memref<5x1x128xf32, #tpu.memory_space<vmem>>, vector<5x1x128xf32>
    %reshape3A_27 = vector.shape_cast %get3A_26 : vector<5x1x128xf32> to vector<5x128xf32>
    %mul3A_28 = vector.broadcast %exp3A : vector<5x1xf32> to vector<5x128xf32>
    %mul3A_29 = arith.mulf %reshape3A_27, %mul3A_28 : vector<5x128xf32>
    %reduce_sum3A_30 = arith.constant dense<0.000000e+00> : vector<128xf32>
    %reduce_sum3A_31 = vector.multi_reduction <add>, %mul3A_29, %reduce_sum3A_30 [0] : vector<5x128xf32> to vector<128xf32>
    %mul3A_32 = vector.broadcast %div3A_22 : f32 to vector<128xf32>
    %mul3A_33 = arith.mulf %reduce_sum3A_31, %mul3A_32 : vector<128xf32>
    %broadcast_in_dim3A = vector.shape_cast %mul3A_33 : vector<128xf32> to vector<1x128xf32>
    %get3A_34 = arith.constant 0 : index
    %get3A_35 = arith.constant 0 : index
    %get3A_36 = vector.load %arg4[%get3A_34, %get3A_35] : memref<128x128xf32, #tpu.memory_space<vmem>>, vector<128x128xf32>
    %convert_element_type3A = arith.truncf %broadcast_in_dim3A : vector<1x128xf32> to vector<1x128xbf16>
    %convert_element_type3A_37 = arith.truncf %get3A_36 : vector<128x128xf32> to vector<128x128xbf16>
    %dot_general3A = arith.constant dense<0.000000e+00> : vector<1x128xf32>
    %dot_general3A_38 = tpu.matmul %convert_element_type3A, %convert_element_type3A_37, %dot_general3A {dimension_numbers = #tpu.dot_dimension_numbers<[1], [0], [0], [1], [0, 0, 1, 1], [], []>, transpose_lhs_hint = false} : vector<1x128xbf16>, vector<128x128xbf16>, vector<1x128xf32> -> vector<1x128xf32>
    %get3A_39 = arith.constant 0 : index
    %get3A_40 = vector.load %arg5[%get3A_39] : memref<128xf32, #tpu.memory_space<vmem>>, vector<128xf32>
    %broadcast_in_dim3A_41 = vector.shape_cast %get3A_40 : vector<128xf32> to vector<1x128xf32>
    %add3A = arith.addf %dot_general3A_38, %broadcast_in_dim3A_41 : vector<1x128xf32>
    %max3A = arith.constant 0.000000e+00 : f32
    %max3A_42 = vector.broadcast %max3A : f32 to vector<1x128xf32>
    %max3A_43 = arith.maximumf %add3A, %max3A_42 : vector<1x128xf32>
    %get3A_44 = arith.constant 0 : index
    %get3A_45 = arith.constant 0 : index
    %get3A_46 = vector.load %arg6[%get3A_44, %get3A_45] : memref<128x1xf32, #tpu.memory_space<vmem>>, vector<128x1xf32>
    %convert_element_type3A_47 = arith.truncf %max3A_43 : vector<1x128xf32> to vector<1x128xbf16>
    %convert_element_type3A_48 = arith.truncf %get3A_46 : vector<128x1xf32> to vector<128x1xbf16>
    %dot_general3A_49 = arith.constant dense<0.000000e+00> : vector<1x1xf32>
    %dot_general3A_50 = tpu.matmul %convert_element_type3A_47, %convert_element_type3A_48, %dot_general3A_49 {dimension_numbers = #tpu.dot_dimension_numbers<[1], [0], [0], [1], [0, 0, 1, 1], [], []>, transpose_lhs_hint = false} : vector<1x128xbf16>, vector<128x1xbf16>, vector<1x1xf32> -> vector<1x1xf32>
    %get3A_51 = arith.constant 0 : index
    %get3A_52 = vector.load %arg7[%get3A_51] : memref<1xf32, #tpu.memory_space<vmem>>, vector<1xf32>
    %broadcast_in_dim3A_53 = vector.shape_cast %get3A_52 : vector<1xf32> to vector<1x1xf32>
    %add3A_54 = arith.addf %dot_general3A_50, %broadcast_in_dim3A_53 : vector<1x1xf32>
    %swap3A = arith.constant 0 : index
    %swap3A_55 = arith.constant 0 : index
    %swap3A_56 = vector.load %arg8[%swap3A, %swap3A_55] : memref<1x1xf32, #tpu.memory_space<vmem>>, vector<1x1xf32>
    tpu.vector_store %arg8[%swap3A, %swap3A_55], %add3A_54 {strides = array<i32>} : memref<1x1xf32, #tpu.memory_space<vmem>>, vector<1x1xf32>,
    %iota3A = tpu.iota {dimensions = array<i32: 0>} : vector<5x2000xi32>
    %iota3A_57 = tpu.iota {dimensions = array<i32: 1>} : vector<5x2000xi32>
    %mul3A_58 = arith.constant 2000 : i32
    %mul3A_59 = vector.broadcast %mul3A_58 : i32 to vector<5x2000xi32>
    %mul3A_60 = arith.muli %iota3A, %mul3A_59 : vector<5x2000xi32>
    %add3A_61 = arith.addi %mul3A_60, %iota3A_57 : vector<5x2000xi32>
    %iota3A_62 = tpu.iota {dimensions = array<i32: 1>} : vector<1x10xi32>
    %broadcast_in_dim3A_63 = arith.constant 0.000000e+00 : f32
    %broadcast_in_dim3A_64 = vector.broadcast %broadcast_in_dim3A_63 : f32 to vector<1x10xf32>
    %broadcast_in_dim3A_65 = arith.constant 0 : i32
    %broadcast_in_dim3A_66 = vector.broadcast %broadcast_in_dim3A_65 : i32 to vector<1x10xi32>
    %sub3A_67 = vector.broadcast %reduce_max3A_16 : f32 to vector<5x2000xf32>
    %sub3A_68 = arith.subf %reshape3A, %sub3A_67 : vector<5x2000xf32>
    %exp3A_69 = math.exp %sub3A_68 : vector<5x2000xf32>
    %mul3A_70 = vector.broadcast %div3A_22 : f32 to vector<5x2000xf32>
    %mul3A_71 = arith.mulf %exp3A_69, %mul3A_70 : vector<5x2000xf32>
    %reduce_max3A_72 = vector.shape_cast %mul3A_71 : vector<5x2000xf32> to vector<1x5x2000xf32>
    %reduce_max3A_73 = arith.constant dense<0xFF800000> : vector<1xf32>
    %reduce_max3A_74 = vector.multi_reduction <maximumf>, %reduce_max3A_72, %reduce_max3A_73 [1, 2] : vector<1x5x2000xf32> to vector<1xf32>
    %reduce_max3A_75 = vector.shape_cast %reduce_max3A_74 : vector<1xf32> to vector<1x1x1xf32>
    %reduce_max3A_76 = vector.extract %reduce_max3A_75[0, 0, 0] : f32 from vector<1x1x1xf32>
    %eq3A = vector.broadcast %reduce_max3A_76 : f32 to vector<5x2000xf32>
    %eq3A_77 = arith.cmpf oeq, %mul3A_71, %eq3A : vector<5x2000xf32>
    %jit3A = arith.constant 10000 : i32
    %broadcast_in_dim3A_78 = vector.broadcast %jit3A : i32 to vector<5x2000xi32>
    %select_n3A = arith.select %eq3A_77, %add3A_61, %broadcast_in_dim3A_78 : vector<5x2000xi1>, vector<5x2000xi32>
    %reduce_min3A = vector.shape_cast %select_n3A : vector<5x2000xi32> to vector<1x5x2000xi32>
    %reduce_min3A_79 = arith.constant dense<2147483647> : vector<1xi32>
    %reduce_min3A_80 = vector.multi_reduction <minsi>, %reduce_min3A, %reduce_min3A_79 [1, 2] : vector<1x5x2000xi32> to vector<1xi32>
    %reduce_min3A_81 = vector.shape_cast %reduce_min3A_80 : vector<1xi32> to vector<1x1x1xi32>
    %reduce_min3A_82 = vector.extract %reduce_min3A_81[0, 0, 0] : i32 from vector<1x1x1xi32>
    %eq3A_83 = arith.constant 0 : i32
    %eq3A_84 = vector.broadcast %eq3A_83 : i32 to vector<1x10xi32>
    %eq3A_85 = arith.cmpi eq, %iota3A_62, %eq3A_84 : vector<1x10xi32>
    %broadcast_in_dim3A_86 = vector.broadcast %reduce_max3A_76 : f32 to vector<1x10xf32>
    %select_n3A_87 = arith.select %eq3A_85, %broadcast_in_dim3A_86, %broadcast_in_dim3A_64 : vector<1x10xi1>, vector<1x10xf32>
    %eq3A_88 = arith.constant 0 : i32
    %eq3A_89 = vector.broadcast %eq3A_88 : i32 to vector<1x10xi32>
    %eq3A_90 = arith.cmpi eq, %iota3A_62, %eq3A_89 : vector<1x10xi32>
    %broadcast_in_dim3A_91 = vector.broadcast %reduce_min3A_82 : i32 to vector<1x10xi32>
    %select_n3A_92 = arith.select %eq3A_90, %broadcast_in_dim3A_91, %broadcast_in_dim3A_66 : vector<1x10xi1>, vector<1x10xi32>
    %eq3A_93 = vector.broadcast %reduce_min3A_82 : i32 to vector<5x2000xi32>
    %eq3A_94 = arith.cmpi eq, %add3A_61, %eq3A_93 : vector<5x2000xi32>
    %jit3A_95 = arith.constant 0xFF800000 : f32
    %broadcast_in_dim3A_96 = vector.broadcast %jit3A_95 : f32 to vector<5x2000xf32>
    %select_n3A_97 = arith.select %eq3A_94, %broadcast_in_dim3A_96, %mul3A_71 : vector<5x2000xi1>, vector<5x2000xf32>
    %reduce_max3A_98 = vector.shape_cast %select_n3A_97 : vector<5x2000xf32> to vector<1x5x2000xf32>
    %reduce_max3A_99 = arith.constant dense<0xFF800000> : vector<1xf32>
    %reduce_max3A_100 = vector.multi_reduction <maximumf>, %reduce_max3A_98, %reduce_max3A_99 [1, 2] : vector<1x5x2000xf32> to vector<1xf32>
    %reduce_max3A_101 = vector.shape_cast %reduce_max3A_100 : vector<1xf32> to vector<1x1x1xf32>
    %reduce_max3A_102 = vector.extract %reduce_max3A_101[0, 0, 0] : f32 from vector<1x1x1xf32>
    %eq3A_103 = vector.broadcast %reduce_max3A_102 : f32 to vector<5x2000xf32>
    %eq3A_104 = arith.cmpf oeq, %select_n3A_97, %eq3A_103 : vector<5x2000xf32>
    %jit3A_105 = arith.constant 10000 : i32
    %broadcast_in_dim3A_106 = vector.broadcast %jit3A_105 : i32 to vector<5x2000xi32>
    %select_n3A_107 = arith.select %eq3A_104, %add3A_61, %broadcast_in_dim3A_106 : vector<5x2000xi1>, vector<5x2000xi32>
    %reduce_min3A_108 = vector.shape_cast %select_n3A_107 : vector<5x2000xi32> to vector<1x5x2000xi32>
    %reduce_min3A_109 = arith.constant dense<2147483647> : vector<1xi32>
    %reduce_min3A_110 = vector.multi_reduction <minsi>, %reduce_min3A_108, %reduce_min3A_109 [1, 2] : vector<1x5x2000xi32> to vector<1xi32>
    %reduce_min3A_111 = vector.shape_cast %reduce_min3A_110 : vector<1xi32> to vector<1x1x1xi32>
    %reduce_min3A_112 = vector.extract %reduce_min3A_111[0, 0, 0] : i32 from vector<1x1x1xi32>
    %eq3A_113 = arith.constant 1 : i32
    %eq3A_114 = vector.broadcast %eq3A_113 : i32 to vector<1x10xi32>
    %eq3A_115 = arith.cmpi eq, %iota3A_62, %eq3A_114 : vector<1x10xi32>
    %broadcast_in_dim3A_116 = vector.broadcast %reduce_max3A_102 : f32 to vector<1x10xf32>
    %select_n3A_117 = arith.select %eq3A_115, %broadcast_in_dim3A_116, %select_n3A_87 : vector<1x10xi1>, vector<1x10xf32>
    %eq3A_118 = arith.constant 1 : i32
    %eq3A_119 = vector.broadcast %eq3A_118 : i32 to vector<1x10xi32>
    %eq3A_120 = arith.cmpi eq, %iota3A_62, %eq3A_119 : vector<1x10xi32>
    %broadcast_in_dim3A_121 = vector.broadcast %reduce_min3A_112 : i32 to vector<1x10xi32>
    %select_n3A_122 = arith.select %eq3A_120, %broadcast_in_dim3A_121, %select_n3A_92 : vector<1x10xi1>, vector<1x10xi32>
    %eq3A_123 = vector.broadcast %reduce_min3A_112 : i32 to vector<5x2000xi32>
    %eq3A_124 = arith.cmpi eq, %add3A_61, %eq3A_123 : vector<5x2000xi32>
    %jit3A_125 = arith.constant 0xFF800000 : f32
    %broadcast_in_dim3A_126 = vector.broadcast %jit3A_125 : f32 to vector<5x2000xf32>
    %select_n3A_127 = arith.select %eq3A_124, %broadcast_in_dim3A_126, %select_n3A_97 : vector<5x2000xi1>, vector<5x2000xf32>
    %reduce_max3A_128 = vector.shape_cast %select_n3A_127 : vector<5x2000xf32> to vector<1x5x2000xf32>
    %reduce_max3A_129 = arith.constant dense<0xFF800000> : vector<1xf32>
    %reduce_max3A_130 = vector.multi_reduction <maximumf>, %reduce_max3A_128, %reduce_max3A_129 [1, 2] : vector<1x5x2000xf32> to vector<1xf32>
    %reduce_max3A_131 = vector.shape_cast %reduce_max3A_130 : vector<1xf32> to vector<1x1x1xf32>
    %reduce_max3A_132 = vector.extract %reduce_max3A_131[0, 0, 0] : f32 from vector<1x1x1xf32>
    %eq3A_133 = vector.broadcast %reduce_max3A_132 : f32 to vector<5x2000xf32>
    %eq3A_134 = arith.cmpf oeq, %select_n3A_127, %eq3A_133 : vector<5x2000xf32>
    %jit3A_135 = arith.constant 10000 : i32
    %broadcast_in_dim3A_136 = vector.broadcast %jit3A_135 : i32 to vector<5x2000xi32>
    %select_n3A_137 = arith.select %eq3A_134, %add3A_61, %broadcast_in_dim3A_136 : vector<5x2000xi1>, vector<5x2000xi32>
    %reduce_min3A_138 = vector.shape_cast %select_n3A_137 : vector<5x2000xi32> to vector<1x5x2000xi32>
    %reduce_min3A_139 = arith.constant dense<2147483647> : vector<1xi32>
    %reduce_min3A_140 = vector.multi_reduction <minsi>, %reduce_min3A_138, %reduce_min3A_139 [1, 2] : vector<1x5x2000xi32> to vector<1xi32>
    %reduce_min3A_141 = vector.shape_cast %reduce_min3A_140 : vector<1xi32> to vector<1x1x1xi32>
    %reduce_min3A_142 = vector.extract %reduce_min3A_141[0, 0, 0] : i32 from vector<1x1x1xi32>
    %eq3A_143 = arith.constant 2 : i32
    %eq3A_144 = vector.broadcast %eq3A_143 : i32 to vector<1x10xi32>
    %eq3A_145 = arith.cmpi eq, %iota3A_62, %eq3A_144 : vector<1x10xi32>
    %broadcast_in_dim3A_146 = vector.broadcast %reduce_max3A_132 : f32 to vector<1x10xf32>
    %select_n3A_147 = arith.select %eq3A_145, %broadcast_in_dim3A_146, %select_n3A_117 : vector<1x10xi1>, vector<1x10xf32>
    %eq3A_148 = arith.constant 2 : i32
    %eq3A_149 = vector.broadcast %eq3A_148 : i32 to vector<1x10xi32>
    %eq3A_150 = arith.cmpi eq, %iota3A_62, %eq3A_149 : vector<1x10xi32>
    %broadcast_in_dim3A_151 = vector.broadcast %reduce_min3A_142 : i32 to vector<1x10xi32>
    %select_n3A_152 = arith.select %eq3A_150, %broadcast_in_dim3A_151, %select_n3A_122 : vector<1x10xi1>, vector<1x10xi32>
    %eq3A_153 = vector.broadcast %reduce_min3A_142 : i32 to vector<5x2000xi32>
    %eq3A_154 = arith.cmpi eq, %add3A_61, %eq3A_153 : vector<5x2000xi32>
    %jit3A_155 = arith.constant 0xFF800000 : f32
    %broadcast_in_dim3A_156 = vector.broadcast %jit3A_155 : f32 to vector<5x2000xf32>
    %select_n3A_157 = arith.select %eq3A_154, %broadcast_in_dim3A_156, %select_n3A_127 : vector<5x2000xi1>, vector<5x2000xf32>
    %reduce_max3A_158 = vector.shape_cast %select_n3A_157 : vector<5x2000xf32> to vector<1x5x2000xf32>
    %reduce_max3A_159 = arith.constant dense<0xFF800000> : vector<1xf32>
    %reduce_max3A_160 = vector.multi_reduction <maximumf>, %reduce_max3A_158, %reduce_max3A_159 [1, 2] : vector<1x5x2000xf32> to vector<1xf32>
    %reduce_max3A_161 = vector.shape_cast %reduce_max3A_160 : vector<1xf32> to vector<1x1x1xf32>
    %reduce_max3A_162 = vector.extract %reduce_max3A_161[0, 0, 0] : f32 from vector<1x1x1xf32>
    %eq3A_163 = vector.broadcast %reduce_max3A_162 : f32 to vector<5x2000xf32>
    %eq3A_164 = arith.cmpf oeq, %select_n3A_157, %eq3A_163 : vector<5x2000xf32>
    %jit3A_165 = arith.constant 10000 : i32
    %broadcast_in_dim3A_166 = vector.broadcast %jit3A_165 : i32 to vector<5x2000xi32>
    %select_n3A_167 = arith.select %eq3A_164, %add3A_61, %broadcast_in_dim3A_166 : vector<5x2000xi1>, vector<5x2000xi32>
    %reduce_min3A_168 = vector.shape_cast %select_n3A_167 : vector<5x2000xi32> to vector<1x5x2000xi32>
    %reduce_min3A_169 = arith.constant dense<2147483647> : vector<1xi32>
    %reduce_min3A_170 = vector.multi_reduction <minsi>, %reduce_min3A_168, %reduce_min3A_169 [1, 2] : vector<1x5x2000xi32> to vector<1xi32>
    %reduce_min3A_171 = vector.shape_cast %reduce_min3A_170 : vector<1xi32> to vector<1x1x1xi32>
    %reduce_min3A_172 = vector.extract %reduce_min3A_171[0, 0, 0] : i32 from vector<1x1x1xi32>
    %eq3A_173 = arith.constant 3 : i32
    %eq3A_174 = vector.broadcast %eq3A_173 : i32 to vector<1x10xi32>
    %eq3A_175 = arith.cmpi eq, %iota3A_62, %eq3A_174 : vector<1x10xi32>
    %broadcast_in_dim3A_176 = vector.broadcast %reduce_max3A_162 : f32 to vector<1x10xf32>
    %select_n3A_177 = arith.select %eq3A_175, %broadcast_in_dim3A_176, %select_n3A_147 : vector<1x10xi1>, vector<1x10xf32>
    %eq3A_178 = arith.constant 3 : i32
    %eq3A_179 = vector.broadcast %eq3A_178 : i32 to vector<1x10xi32>
    %eq3A_180 = arith.cmpi eq, %iota3A_62, %eq3A_179 : vector<1x10xi32>
    %broadcast_in_dim3A_181 = vector.broadcast %reduce_min3A_172 : i32 to vector<1x10xi32>
    %select_n3A_182 = arith.select %eq3A_180, %broadcast_in_dim3A_181, %select_n3A_152 : vector<1x10xi1>, vector<1x10xi32>
    %eq3A_183 = vector.broadcast %reduce_min3A_172 : i32 to vector<5x2000xi32>
    %eq3A_184 = arith.cmpi eq, %add3A_61, %eq3A_183 : vector<5x2000xi32>
    %jit3A_185 = arith.constant 0xFF800000 : f32
    %broadcast_in_dim3A_186 = vector.broadcast %jit3A_185 : f32 to vector<5x2000xf32>
    %select_n3A_187 = arith.select %eq3A_184, %broadcast_in_dim3A_186, %select_n3A_157 : vector<5x2000xi1>, vector<5x2000xf32>
    %reduce_max3A_188 = vector.shape_cast %select_n3A_187 : vector<5x2000xf32> to vector<1x5x2000xf32>
    %reduce_max3A_189 = arith.constant dense<0xFF800000> : vector<1xf32>
    %reduce_max3A_190 = vector.multi_reduction <maximumf>, %reduce_max3A_188, %reduce_max3A_189 [1, 2] : vector<1x5x2000xf32> to vector<1xf32>
    %reduce_max3A_191 = vector.shape_cast %reduce_max3A_190 : vector<1xf32> to vector<1x1x1xf32>
    %reduce_max3A_192 = vector.extract %reduce_max3A_191[0, 0, 0] : f32 from vector<1x1x1xf32>
    %eq3A_193 = vector.broadcast %reduce_max3A_192 : f32 to vector<5x2000xf32>
    %eq3A_194 = arith.cmpf oeq, %select_n3A_187, %eq3A_193 : vector<5x2000xf32>
    %jit3A_195 = arith.constant 10000 : i32
    %broadcast_in_dim3A_196 = vector.broadcast %jit3A_195 : i32 to vector<5x2000xi32>
    %select_n3A_197 = arith.select %eq3A_194, %add3A_61, %broadcast_in_dim3A_196 : vector<5x2000xi1>, vector<5x2000xi32>
    %reduce_min3A_198 = vector.shape_cast %select_n3A_197 : vector<5x2000xi32> to vector<1x5x2000xi32>
    %reduce_min3A_199 = arith.constant dense<2147483647> : vector<1xi32>
    %reduce_min3A_200 = vector.multi_reduction <minsi>, %reduce_min3A_198, %reduce_min3A_199 [1, 2] : vector<1x5x2000xi32> to vector<1xi32>
    %reduce_min3A_201 = vector.shape_cast %reduce_min3A_200 : vector<1xi32> to vector<1x1x1xi32>
    %reduce_min3A_202 = vector.extract %reduce_min3A_201[0, 0, 0] : i32 from vector<1x1x1xi32>
    %eq3A_203 = arith.constant 4 : i32
    %eq3A_204 = vector.broadcast %eq3A_203 : i32 to vector<1x10xi32>
    %eq3A_205 = arith.cmpi eq, %iota3A_62, %eq3A_204 : vector<1x10xi32>
    %broadcast_in_dim3A_206 = vector.broadcast %reduce_max3A_192 : f32 to vector<1x10xf32>
    %select_n3A_207 = arith.select %eq3A_205, %broadcast_in_dim3A_206, %select_n3A_177 : vector<1x10xi1>, vector<1x10xf32>
    %eq3A_208 = arith.constant 4 : i32
    %eq3A_209 = vector.broadcast %eq3A_208 : i32 to vector<1x10xi32>
    %eq3A_210 = arith.cmpi eq, %iota3A_62, %eq3A_209 : vector<1x10xi32>
    %broadcast_in_dim3A_211 = vector.broadcast %reduce_min3A_202 : i32 to vector<1x10xi32>
    %select_n3A_212 = arith.select %eq3A_210, %broadcast_in_dim3A_211, %select_n3A_182 : vector<1x10xi1>, vector<1x10xi32>
    %eq3A_213 = vector.broadcast %reduce_min3A_202 : i32 to vector<5x2000xi32>
    %eq3A_214 = arith.cmpi eq, %add3A_61, %eq3A_213 : vector<5x2000xi32>
    %jit3A_215 = arith.constant 0xFF800000 : f32
    %broadcast_in_dim3A_216 = vector.broadcast %jit3A_215 : f32 to vector<5x2000xf32>
    %select_n3A_217 = arith.select %eq3A_214, %broadcast_in_dim3A_216, %select_n3A_187 : vector<5x2000xi1>, vector<5x2000xf32>
    %reduce_max3A_218 = vector.shape_cast %select_n3A_217 : vector<5x2000xf32> to vector<1x5x2000xf32>
    %reduce_max3A_219 = arith.constant dense<0xFF800000> : vector<1xf32>
    %reduce_max3A_220 = vector.multi_reduction <maximumf>, %reduce_max3A_218, %reduce_max3A_219 [1, 2] : vector<1x5x2000xf32> to vector<1xf32>
    %reduce_max3A_221 = vector.shape_cast %reduce_max3A_220 : vector<1xf32> to vector<1x1x1xf32>
    %reduce_max3A_222 = vector.extract %reduce_max3A_221[0, 0, 0] : f32 from vector<1x1x1xf32>
    %eq3A_223 = vector.broadcast %reduce_max3A_222 : f32 to vector<5x2000xf32>
    %eq3A_224 = arith.cmpf oeq, %select_n3A_217, %eq3A_223 : vector<5x2000xf32>
    %jit3A_225 = arith.constant 10000 : i32
    %broadcast_in_dim3A_226 = vector.broadcast %jit3A_225 : i32 to vector<5x2000xi32>
    %select_n3A_227 = arith.select %eq3A_224, %add3A_61, %broadcast_in_dim3A_226 : vector<5x2000xi1>, vector<5x2000xi32>
    %reduce_min3A_228 = vector.shape_cast %select_n3A_227 : vector<5x2000xi32> to vector<1x5x2000xi32>
    %reduce_min3A_229 = arith.constant dense<2147483647> : vector<1xi32>
    %reduce_min3A_230 = vector.multi_reduction <minsi>, %reduce_min3A_228, %reduce_min3A_229 [1, 2] : vector<1x5x2000xi32> to vector<1xi32>
    %reduce_min3A_231 = vector.shape_cast %reduce_min3A_230 : vector<1xi32> to vector<1x1x1xi32>
    %reduce_min3A_232 = vector.extract %reduce_min3A_231[0, 0, 0] : i32 from vector<1x1x1xi32>
    %eq3A_233 = arith.constant 5 : i32
    %eq3A_234 = vector.broadcast %eq3A_233 : i32 to vector<1x10xi32>
    %eq3A_235 = arith.cmpi eq, %iota3A_62, %eq3A_234 : vector<1x10xi32>
    %broadcast_in_dim3A_236 = vector.broadcast %reduce_max3A_222 : f32 to vector<1x10xf32>
    %select_n3A_237 = arith.select %eq3A_235, %broadcast_in_dim3A_236, %select_n3A_207 : vector<1x10xi1>, vector<1x10xf32>
    %eq3A_238 = arith.constant 5 : i32
    %eq3A_239 = vector.broadcast %eq3A_238 : i32 to vector<1x10xi32>
    %eq3A_240 = arith.cmpi eq, %iota3A_62, %eq3A_239 : vector<1x10xi32>
    %broadcast_in_dim3A_241 = vector.broadcast %reduce_min3A_232 : i32 to vector<1x10xi32>
    %select_n3A_242 = arith.select %eq3A_240, %broadcast_in_dim3A_241, %select_n3A_212 : vector<1x10xi1>, vector<1x10xi32>
    %eq3A_243 = vector.broadcast %reduce_min3A_232 : i32 to vector<5x2000xi32>
    %eq3A_244 = arith.cmpi eq, %add3A_61, %eq3A_243 : vector<5x2000xi32>
    %jit3A_245 = arith.constant 0xFF800000 : f32
    %broadcast_in_dim3A_246 = vector.broadcast %jit3A_245 : f32 to vector<5x2000xf32>
    %select_n3A_247 = arith.select %eq3A_244, %broadcast_in_dim3A_246, %select_n3A_217 : vector<5x2000xi1>, vector<5x2000xf32>
    %reduce_max3A_248 = vector.shape_cast %select_n3A_247 : vector<5x2000xf32> to vector<1x5x2000xf32>
    %reduce_max3A_249 = arith.constant dense<0xFF800000> : vector<1xf32>
    %reduce_max3A_250 = vector.multi_reduction <maximumf>, %reduce_max3A_248, %reduce_max3A_249 [1, 2] : vector<1x5x2000xf32> to vector<1xf32>
    %reduce_max3A_251 = vector.shape_cast %reduce_max3A_250 : vector<1xf32> to vector<1x1x1xf32>
    %reduce_max3A_252 = vector.extract %reduce_max3A_251[0, 0, 0] : f32 from vector<1x1x1xf32>
    %eq3A_253 = vector.broadcast %reduce_max3A_252 : f32 to vector<5x2000xf32>
    %eq3A_254 = arith.cmpf oeq, %select_n3A_247, %eq3A_253 : vector<5x2000xf32>
    %jit3A_255 = arith.constant 10000 : i32
    %broadcast_in_dim3A_256 = vector.broadcast %jit3A_255 : i32 to vector<5x2000xi32>
    %select_n3A_257 = arith.select %eq3A_254, %add3A_61, %broadcast_in_dim3A_256 : vector<5x2000xi1>, vector<5x2000xi32>
    %reduce_min3A_258 = vector.shape_cast %select_n3A_257 : vector<5x2000xi32> to vector<1x5x2000xi32>
    %reduce_min3A_259 = arith.constant dense<2147483647> : vector<1xi32>
    %reduce_min3A_260 = vector.multi_reduction <minsi>, %reduce_min3A_258, %reduce_min3A_259 [1, 2] : vector<1x5x2000xi32> to vector<1xi32>
    %reduce_min3A_261 = vector.shape_cast %reduce_min3A_260 : vector<1xi32> to vector<1x1x1xi32>
    %reduce_min3A_262 = vector.extract %reduce_min3A_261[0, 0, 0] : i32 from vector<1x1x1xi32>
    %eq3A_263 = arith.constant 6 : i32
    %eq3A_264 = vector.broadcast %eq3A_263 : i32 to vector<1x10xi32>
    %eq3A_265 = arith.cmpi eq, %iota3A_62, %eq3A_264 : vector<1x10xi32>
    %broadcast_in_dim3A_266 = vector.broadcast %reduce_max3A_252 : f32 to vector<1x10xf32>
    %select_n3A_267 = arith.select %eq3A_265, %broadcast_in_dim3A_266, %select_n3A_237 : vector<1x10xi1>, vector<1x10xf32>
    %eq3A_268 = arith.constant 6 : i32
    %eq3A_269 = vector.broadcast %eq3A_268 : i32 to vector<1x10xi32>
    %eq3A_270 = arith.cmpi eq, %iota3A_62, %eq3A_269 : vector<1x10xi32>
    %broadcast_in_dim3A_271 = vector.broadcast %reduce_min3A_262 : i32 to vector<1x10xi32>
    %select_n3A_272 = arith.select %eq3A_270, %broadcast_in_dim3A_271, %select_n3A_242 : vector<1x10xi1>, vector<1x10xi32>
    %eq3A_273 = vector.broadcast %reduce_min3A_262 : i32 to vector<5x2000xi32>
    %eq3A_274 = arith.cmpi eq, %add3A_61, %eq3A_273 : vector<5x2000xi32>
    %jit3A_275 = arith.constant 0xFF800000 : f32
    %broadcast_in_dim3A_276 = vector.broadcast %jit3A_275 : f32 to vector<5x2000xf32>
    %select_n3A_277 = arith.select %eq3A_274, %broadcast_in_dim3A_276, %select_n3A_247 : vector<5x2000xi1>, vector<5x2000xf32>
    %reduce_max3A_278 = vector.shape_cast %select_n3A_277 : vector<5x2000xf32> to vector<1x5x2000xf32>
    %reduce_max3A_279 = arith.constant dense<0xFF800000> : vector<1xf32>
    %reduce_max3A_280 = vector.multi_reduction <maximumf>, %reduce_max3A_278, %reduce_max3A_279 [1, 2] : vector<1x5x2000xf32> to vector<1xf32>
    %reduce_max3A_281 = vector.shape_cast %reduce_max3A_280 : vector<1xf32> to vector<1x1x1xf32>
    %reduce_max3A_282 = vector.extract %reduce_max3A_281[0, 0, 0] : f32 from vector<1x1x1xf32>
    %eq3A_283 = vector.broadcast %reduce_max3A_282 : f32 to vector<5x2000xf32>
    %eq3A_284 = arith.cmpf oeq, %select_n3A_277, %eq3A_283 : vector<5x2000xf32>
    %jit3A_285 = arith.constant 10000 : i32
    %broadcast_in_dim3A_286 = vector.broadcast %jit3A_285 : i32 to vector<5x2000xi32>
    %select_n3A_287 = arith.select %eq3A_284, %add3A_61, %broadcast_in_dim3A_286 : vector<5x2000xi1>, vector<5x2000xi32>
    %reduce_min3A_288 = vector.shape_cast %select_n3A_287 : vector<5x2000xi32> to vector<1x5x2000xi32>
    %reduce_min3A_289 = arith.constant dense<2147483647> : vector<1xi32>
    %reduce_min3A_290 = vector.multi_reduction <minsi>, %reduce_min3A_288, %reduce_min3A_289 [1, 2] : vector<1x5x2000xi32> to vector<1xi32>
    %reduce_min3A_291 = vector.shape_cast %reduce_min3A_290 : vector<1xi32> to vector<1x1x1xi32>
    %reduce_min3A_292 = vector.extract %reduce_min3A_291[0, 0, 0] : i32 from vector<1x1x1xi32>
    %eq3A_293 = arith.constant 7 : i32
    %eq3A_294 = vector.broadcast %eq3A_293 : i32 to vector<1x10xi32>
    %eq3A_295 = arith.cmpi eq, %iota3A_62, %eq3A_294 : vector<1x10xi32>
    %broadcast_in_dim3A_296 = vector.broadcast %reduce_max3A_282 : f32 to vector<1x10xf32>
    %select_n3A_297 = arith.select %eq3A_295, %broadcast_in_dim3A_296, %select_n3A_267 : vector<1x10xi1>, vector<1x10xf32>
    %eq3A_298 = arith.constant 7 : i32
    %eq3A_299 = vector.broadcast %eq3A_298 : i32 to vector<1x10xi32>
    %eq3A_300 = arith.cmpi eq, %iota3A_62, %eq3A_299 : vector<1x10xi32>
    %broadcast_in_dim3A_301 = vector.broadcast %reduce_min3A_292 : i32 to vector<1x10xi32>
    %select_n3A_302 = arith.select %eq3A_300, %broadcast_in_dim3A_301, %select_n3A_272 : vector<1x10xi1>, vector<1x10xi32>
    %eq3A_303 = vector.broadcast %reduce_min3A_292 : i32 to vector<5x2000xi32>
    %eq3A_304 = arith.cmpi eq, %add3A_61, %eq3A_303 : vector<5x2000xi32>
    %jit3A_305 = arith.constant 0xFF800000 : f32
    %broadcast_in_dim3A_306 = vector.broadcast %jit3A_305 : f32 to vector<5x2000xf32>
    %select_n3A_307 = arith.select %eq3A_304, %broadcast_in_dim3A_306, %select_n3A_277 : vector<5x2000xi1>, vector<5x2000xf32>
    %reduce_max3A_308 = vector.shape_cast %select_n3A_307 : vector<5x2000xf32> to vector<1x5x2000xf32>
    %reduce_max3A_309 = arith.constant dense<0xFF800000> : vector<1xf32>
    %reduce_max3A_310 = vector.multi_reduction <maximumf>, %reduce_max3A_308, %reduce_max3A_309 [1, 2] : vector<1x5x2000xf32> to vector<1xf32>
    %reduce_max3A_311 = vector.shape_cast %reduce_max3A_310 : vector<1xf32> to vector<1x1x1xf32>
    %reduce_max3A_312 = vector.extract %reduce_max3A_311[0, 0, 0] : f32 from vector<1x1x1xf32>
    %eq3A_313 = vector.broadcast %reduce_max3A_312 : f32 to vector<5x2000xf32>
    %eq3A_314 = arith.cmpf oeq, %select_n3A_307, %eq3A_313 : vector<5x2000xf32>
    %jit3A_315 = arith.constant 10000 : i32
    %broadcast_in_dim3A_316 = vector.broadcast %jit3A_315 : i32 to vector<5x2000xi32>
    %select_n3A_317 = arith.select %eq3A_314, %add3A_61, %broadcast_in_dim3A_316 : vector<5x2000xi1>, vector<5x2000xi32>
    %reduce_min3A_318 = vector.shape_cast %select_n3A_317 : vector<5x2000xi32> to vector<1x5x2000xi32>
    %reduce_min3A_319 = arith.constant dense<2147483647> : vector<1xi32>
    %reduce_min3A_320 = vector.multi_reduction <minsi>, %reduce_min3A_318, %reduce_min3A_319 [1, 2] : vector<1x5x2000xi32> to vector<1xi32>
    %reduce_min3A_321 = vector.shape_cast %reduce_min3A_320 : vector<1xi32> to vector<1x1x1xi32>
    %reduce_min3A_322 = vector.extract %reduce_min3A_321[0, 0, 0] : i32 from vector<1x1x1xi32>
    %eq3A_323 = arith.constant 8 : i32
    %eq3A_324 = vector.broadcast %eq3A_323 : i32 to vector<1x10xi32>
    %eq3A_325 = arith.cmpi eq, %iota3A_62, %eq3A_324 : vector<1x10xi32>
    %broadcast_in_dim3A_326 = vector.broadcast %reduce_max3A_312 : f32 to vector<1x10xf32>
    %select_n3A_327 = arith.select %eq3A_325, %broadcast_in_dim3A_326, %select_n3A_297 : vector<1x10xi1>, vector<1x10xf32>
    %eq3A_328 = arith.constant 8 : i32
    %eq3A_329 = vector.broadcast %eq3A_328 : i32 to vector<1x10xi32>
    %eq3A_330 = arith.cmpi eq, %iota3A_62, %eq3A_329 : vector<1x10xi32>
    %broadcast_in_dim3A_331 = vector.broadcast %reduce_min3A_322 : i32 to vector<1x10xi32>
    %select_n3A_332 = arith.select %eq3A_330, %broadcast_in_dim3A_331, %select_n3A_302 : vector<1x10xi1>, vector<1x10xi32>
    %eq3A_333 = vector.broadcast %reduce_min3A_322 : i32 to vector<5x2000xi32>
    %eq3A_334 = arith.cmpi eq, %add3A_61, %eq3A_333 : vector<5x2000xi32>
    %jit3A_335 = arith.constant 0xFF800000 : f32
    %broadcast_in_dim3A_336 = vector.broadcast %jit3A_335 : f32 to vector<5x2000xf32>
    %select_n3A_337 = arith.select %eq3A_334, %broadcast_in_dim3A_336, %select_n3A_307 : vector<5x2000xi1>, vector<5x2000xf32>
    %reduce_max3A_338 = vector.shape_cast %select_n3A_337 : vector<5x2000xf32> to vector<1x5x2000xf32>
    %reduce_max3A_339 = arith.constant dense<0xFF800000> : vector<1xf32>
    %reduce_max3A_340 = vector.multi_reduction <maximumf>, %reduce_max3A_338, %reduce_max3A_339 [1, 2] : vector<1x5x2000xf32> to vector<1xf32>
    %reduce_max3A_341 = vector.shape_cast %reduce_max3A_340 : vector<1xf32> to vector<1x1x1xf32>
    %reduce_max3A_342 = vector.extract %reduce_max3A_341[0, 0, 0] : f32 from vector<1x1x1xf32>
    %eq3A_343 = vector.broadcast %reduce_max3A_342 : f32 to vector<5x2000xf32>
    %eq3A_344 = arith.cmpf oeq, %select_n3A_337, %eq3A_343 : vector<5x2000xf32>
    %jit3A_345 = arith.constant 10000 : i32
    %broadcast_in_dim3A_346 = vector.broadcast %jit3A_345 : i32 to vector<5x2000xi32>
    %select_n3A_347 = arith.select %eq3A_344, %add3A_61, %broadcast_in_dim3A_346 : vector<5x2000xi1>, vector<5x2000xi32>
    %reduce_min3A_348 = vector.shape_cast %select_n3A_347 : vector<5x2000xi32> to vector<1x5x2000xi32>
    %reduce_min3A_349 = arith.constant dense<2147483647> : vector<1xi32>
    %reduce_min3A_350 = vector.multi_reduction <minsi>, %reduce_min3A_348, %reduce_min3A_349 [1, 2] : vector<1x5x2000xi32> to vector<1xi32>
    %reduce_min3A_351 = vector.shape_cast %reduce_min3A_350 : vector<1xi32> to vector<1x1x1xi32>
    %reduce_min3A_352 = vector.extract %reduce_min3A_351[0, 0, 0] : i32 from vector<1x1x1xi32>
    %eq3A_353 = arith.constant 9 : i32
    %eq3A_354 = vector.broadcast %eq3A_353 : i32 to vector<1x10xi32>
    %eq3A_355 = arith.cmpi eq, %iota3A_62, %eq3A_354 : vector<1x10xi32>
    %broadcast_in_dim3A_356 = vector.broadcast %reduce_max3A_342 : f32 to vector<1x10xf32>
    %select_n3A_357 = arith.select %eq3A_355, %broadcast_in_dim3A_356, %select_n3A_327 : vector<1x10xi1>, vector<1x10xf32>
    %eq3A_358 = arith.constant 9 : i32
    %eq3A_359 = vector.broadcast %eq3A_358 : i32 to vector<1x10xi32>
    %eq3A_360 = arith.cmpi eq, %iota3A_62, %eq3A_359 : vector<1x10xi32>
    %broadcast_in_dim3A_361 = vector.broadcast %reduce_min3A_352 : i32 to vector<1x10xi32>
    %select_n3A_362 = arith.select %eq3A_360, %broadcast_in_dim3A_361, %select_n3A_332 : vector<1x10xi1>, vector<1x10xi32>
    %swap3A_363 = arith.constant 0 : index
    %swap3A_364 = arith.constant 0 : index
    %swap3A_365 = vector.load %arg9[%swap3A_363, %swap3A_364] : memref<1x10xf32, #tpu.memory_space<vmem>>, vector<1x10xf32>
    tpu.vector_store %arg9[%swap3A_363, %swap3A_364], %select_n3A_357 {strides = array<i32>} : memref<1x10xf32, #tpu.memory_space<vmem>>, vector<1x10xf32>,
    %swap3A_366 = arith.constant 0 : index
    %swap3A_367 = arith.constant 0 : index
    %swap3A_368 = vector.load %arg10[%swap3A_366, %swap3A_367] : memref<1x10xi32, #tpu.memory_space<vmem>>, vector<1x10xi32>
    tpu.vector_store %arg10[%swap3A_366, %swap3A_367], %select_n3A_362 {strides = array<i32>} : memref<1x10xi32, #tpu.memory_space<vmem>>, vector<1x10xi32>,
    return
  }
}

</mosaic_0001>

<sc_bundles>
// kernel: kernel.12.cloned.1.call-start
scs
__scs_entry_jumppad:
0x0: {  	(pc) =	sbr.rel $0x88, $3  }
0x1: {  	(tag) =	ssettag $0x0;
	lr =	simm.s32 $0x1  }
0x2: {  	[smem:$0x3F93] =	sst lr;
	_ =	strace $0xD0000000  }
0x3: {  	_ = 	snop  }
0x4: {  	_ = 	snop  }
0x5: {  	_ = 	snop  }
0x6: {  	_ = 	snop  }
0x7: {  	_ = 	snop  }
__scs_overlays_trampoline_lowered:
0x8: {  	[smem:$0x3FA2] =	sst s0  }
0x9: {  	[smem:$0x3FA3] =	sst s1  }
0xa: {  	[smem:$0x3FA4] =	sst s2  }
0xb: {  	[smem:$0x3FA5] =	sst s3  }
0xc: {  	[smem:$0x3FA6] =	sst s4  }
0xd: {  	[smem:$0x3FA7] =	sst s5  }
0xe: {  	[smem:$0x3FA8] =	sst s6  }
0xf: {  	[smem:$0x3FA9] =	sst s7  }
0x10: {  	[smem:$0x3FAA] =	sst s8  }
0x11: {  	[smem:$0x3FAB] =	sst s9;
	s0 =	simm.s32 @!p0 $0x0  }
0x12: {  	s1 =	sld [smem:$0x3F91];
	s0 =	simm.s32 @p0 $0x1  }
0x13: {  	[smem:$0x3FAC] =	sst s0;
	s0 =	simm.s32 @!p1 $0x0  }
0x14: {  	s2 =	sld [smem:$0x3F90];
	s0 =	simm.s32 @p1 $0x1  }
0x15: {  	[smem:$0x3FAD] =	sst s0;
	s0 =	simm.s32 @!p2 $0x0  }
0x16: {  	s3 =	sld [smem:$0x3FDB];
	s0 =	simm.s32 @p2 $0x1  }
0x17: {  	s4 =	simm.s32 $0x1BF5;
	[smem:$0x3FAF] =	sst s0  }
0x18: {  	s0 =	sld [smem:$0x3F92];
	_ =	swait.ge [sflag:s4], $0x0  }
0x19: {  	s7 =	sld [smem:$0x3F93]  }
0x1a: {  	s8 =	sadd.s32 $0xFFFFE003, lr  }
0x1b: {  	s9 =	sadd.s32 $0xFFFFFEF7, lr;
	s5 =	simm.s32 $0xFFFFFFFF;
	p2 =	slt.u32 s8, $0xFFFFF086  }
0x1c: {  	p1 =	slt.u32 s9, $0xF7A;
	s5 =	simm.s32 @!p2 $0x0  }
0x1d: {  	s5 =	simm.s32 @p1 $0x1;
	p0 =	seq.s32 s7, s2  }
0x1e: {  	s7 =	smul.u32 @!p0 $0xF7A, s2;
	p2 =	seq.s32 @!p0 s5, $0x0  }
0x1f: {  	s9 =	smul.u32 $0xF7A, s1;
	s8 =	simm.s32 @!p0 $0x1BF5;
	p2 =	por !p2, p0  }
0x20: {  	[sflag:s8] =	ssyncset.s32 @!p0 $0xFFFFF086;
	s6 =	sadd.s32 @!p0 s3, s7;
	s7 =	simm.s32 @!p0 $0x108  }
0x21: {  	s3 =	sadd.s32 s3, s9;
	s6 =	sadd.s32 @!p0 $0x88, s6;
	s7 =	simm.s32 @p2 $0x1082  }
0x22: {  	[simem:s7], [sflag:s8] =	dma.local @!p0 [hbm:s6], $0xF7A  }
0x23: {  	s9 =	sor.u32 $0xD0000000, s2;
	s6 =	simm.s32 $0x108;
	_ =	swait.ge @!p0 [sflag:s8], $0x0  }
0x24: {  	s3 =	sadd.s32 $0x88, s3;
	s6 =	simm.s32 @!p1 $0x1082;
	[sflag:s4] =	ssyncset.s32 $0xFFFFF086  }
0x25: {  	[simem:s6], [sflag:s4] =	dma.local [hbm:s3], $0xF7A  }
0x26: {  	[smem:$0x3F93] =	sst s1;
	(tag) =	ssettag s2;
	_ =	strace s9  }
0x27: {  	s1 =	sld [smem:$0x3FA3]  }
0x28: {  	s2 =	sld [smem:$0x3FA4]  }
0x29: {  	s4 =	sld [smem:$0x3FA6]  }
0x2a: {  	p0 =	seq.s32 s5, $0x0;
	s5 =	sld [smem:$0x3FA7]  }
0x2b: {  	s6 =	sld [smem:$0x3FA8]  }
0x2c: {  	s7 =	sld [smem:$0x3FA9]  }
0x2d: {  	s3 =	simm.s32 $0x108;
	s8 =	sld [smem:$0x3FAA]  }
0x2e: {  	s3 =	simm.s32 @!p0 $0x1082;
	s9 =	sld [smem:$0x3FAB]  }
0x2f: {  	lr =	sadd.s32 s0, s3;
	s0 =	sld [smem:$0x3FA2]  }
0x30: {  	s3 =	sld [smem:$0x3FA5]  }
0x31: {  	[smem:$0x3FAE] =	sst s10  }
0x32: {  	s10 =	sld [smem:$0x3FAC];
	_ =	sdelay $0x3  }
0x33: {  	p0 =	seq.s32 s10, $0x1;
	s10 =	sld [smem:$0x3FAE];
	_ =	sdelay $0x3  }
0x34: {  	[smem:$0x3FAE] =	sst s10  }
0x35: {  	s10 =	sld [smem:$0x3FAD];
	_ =	sdelay $0x3  }
0x36: {  	p1 =	seq.s32 s10, $0x1;
	s10 =	sld [smem:$0x3FAE];
	_ =	sdelay $0x3  }
0x37: {  	[smem:$0x3FAE] =	sst s10  }
0x38: {  	s10 =	sld [smem:$0x3FAF]  }
0x39: {  	_ = 	snop;
	(pc) =	sbr.ind lr, $3  }
0x3a: {  	_ = 	snop  }
0x3b: {  	_ = 	snop  }
0x3c: {  	p2 =	seq.s32 s10, $0x1;
	s10 =	sld [smem:$0x3FAE]  }
0x3d: {  	_ =	shalt  }
0x3e: {  	_ =	shalt  }
0x3f: {  	_ =	shalt  }
0x40: {  	_ =	shalt  }
0x41: {  	_ =	shalt  }
0x42: {  	_ =	shalt  }
0x43: {  	_ =	shalt  }
0x44: {  	_ =	shalt  }
0x45: {  	_ =	shalt  }
0x46: {  	_ =	shalt  }
0x47: {  	_ =	shalt  }
0x48: {  	_ =	shalt  }
0x49: {  	_ =	shalt  }
0x4a: {  	_ =	shalt  }
0x4b: {  	_ =	shalt  }
0x4c: {  	_ =	shalt  }
0x4d: {  	_ =	shalt  }
0x4e: {  	_ =	shalt  }
0x4f: {  	_ =	shalt  }
0x50: {  	_ =	shalt  }
0x51: {  	_ =	shalt  }
0x52: {  	_ =	shalt  }
0x53: {  	_ =	shalt  }
0x54: {  	_ =	shalt  }
0x55: {  	_ =	shalt  }
0x56: {  	_ =	shalt  }
0x57: {  	_ =	shalt  }
0x58: {  	_ =	shalt  }
0x59: {  	_ =	shalt  }
0x5a: {  	_ =	shalt  }
0x5b: {  	_ =	shalt  }
0x5c: {  	_ =	shalt  }
0x5d: {  	_ =	shalt  }
0x5e: {  	_ =	shalt  }
0x5f: {  	_ =	shalt  }
0x60: {  	_ =	shalt  }
0x61: {  	_ =	shalt  }
0x62: {  	_ =	shalt  }
0x63: {  	_ =	shalt  }
0x64: {  	_ =	shalt  }
0x65: {  	_ =	shalt  }
0x66: {  	_ =	shalt  }
0x67: {  	_ =	shalt  }
0x68: {  	_ =	shalt  }
0x69: {  	_ =	shalt  }
0x6a: {  	_ =	shalt  }
0x6b: {  	_ =	shalt  }
0x6c: {  	_ =	shalt  }
0x6d: {  	_ =	shalt  }
0x6e: {  	_ =	shalt  }
0x6f: {  	_ =	shalt  }
0x70: {  	_ =	shalt  }
0x71: {  	_ =	shalt  }
0x72: {  	_ =	shalt  }
0x73: {  	_ =	shalt  }
0x74: {  	_ =	shalt  }
0x75: {  	_ =	shalt  }
0x76: {  	_ =	shalt  }
0x77: {  	_ =	shalt  }
0x78: {  	_ =	shalt  }
0x79: {  	_ =	shalt  }
0x7a: {  	_ =	shalt  }
0x7b: {  	_ =	shalt  }
0x7c: {  	_ =	shalt  }
0x7d: {  	_ =	shalt  }
0x7e: {  	_ =	shalt  }
0x7f: {  	_ =	shalt  }
0x80: {  	_ =	shalt  }
0x81: {  	_ =	shalt  }
0x82: {  	_ =	shalt  }
0x83: {  	_ =	shalt  }
0x84: {  	_ =	shalt  }
0x85: {  	_ =	shalt  }
0x86: {  	_ =	shalt  }
0x87: {  	_ =	shalt  }
.Lfunc_end0:
.L_simem_size_0:
called_computation.1_lowered:
.L_overlay_start_0:
0x88: {  	s2 =	sld [smem:$0x3FD9]  }
0x89: {  	s3 =	sld [smem:$0x3FFE];
	_ =	sdelay $0x1  }
0x8a: {  	s1 =	srdreg.scid  }
0x8b: {  	s0 =	sand.u32 $0x1, s1  }
0x8c: {  	s16 =	sshll.u32 s0, $0xA;
	s2 =	sadd.s32 s3, s2  }
0x8d: {  	s2 =	sadd.s32 s2, s16  }
0x8e: {  	[smem:$0x3FBA] =	sst s2  }
0x8f: {  	_ = 	snop  }
0x90: {  	(tm) =	ssettm $0x1  }
0x91: {  	s17 =	sld [smem:$0x3FFB];
	_ =	sdelay $0x3  }
0x92: {  	_ =	strace s17  }
0x93: {  	s2 =	sld [smem:$0x3FFC];
	_ =	sdelay $0x3  }
0x94: {  	_ =	strace s2  }
0x95: {  	s2 =	sld [smem:$0x3FFD];
	_ =	sdelay $0x3  }
0x96: {  	_ =	strace s2  }
0x97: {  	_ =	strace $0x8FFFFFFF  }
0x98: {  	s18 =	sld [smem:$0x3FDB];
	_ =	sdelay $0x1  }
0x99: {  	s19 =	simm.s32 $_scs_section_size  }
0x9a: {  	s4 =	simm.s32 $_size__tile_overlayer_lowered;
	s5 =	simm.s32 $_tile_overlayer_lowered  }
0x9b: {  	s22 =	simm.s32 $0x1BFF;
	s21 =	sshll.u32 s5, $0x1;
	s2 =	sadd.s32 s19, s18  }
0x9c: {  	s6 =	simm.s32 $0x0;
	s20 =	sshll.u32 s4, $0x1;
	s4 =	sadd.s32 s21, s2  }
0x9d: {  	[timem:s6], [sflag:s22] =	dma.local [hbm:s4], s20  }
0x9e: {  	_ =	swait.ge [sflag:s22], s20  }
0x9f: {  	s3 =	ssub.s32 $0x0, s20;
	[sflag:s22] =	ssyncset.done $0x0  }
0xa0: {  	[sflag:s22] =	ssyncadd.s32 s3;
	_ =	sdelay $0x1  }
0xa1: {  	s23 =	simm.s32 $0x1B8B  }
0xa2: {  	_ =	swait.ge [sflag:s23], $0x1  }
0xa3: {  	[sflag:s23] =	ssyncset.done $0x0  }
0xa4: {  	s25 =	simm.s32 $0x1B8E;
	s24 =	sld [smem:$0x3FFE];
	[sflag:s23] =	ssyncadd.s32 $0xFFFFFFFF  }
0xa5: {  	s26 =	simm.s32 $execute0_lowered;
	[smem:$0x3FD2] =	sst s25  }
0xa6: {  	s4 =	sshll.u32 s26, $0x1;
	_ =	strace $0x80000049;
	[dreg:$0x1] =	wrdreg $0xFFFFFFFF  }
0xa7: {  	s28 =	simm.s32 $_size_execute0_lowered;
	s2 =	sadd.s32 s2, s4;
	[dreg:$0x0] =	wrdreg $0x0  }
0xa8: {  	s4 =	sshll.u32 s28, $0x1;
	[dreg:$0x2] =	wrdreg s2  }
0xa9: {  	[dreg:$0x3] =	wrdreg s4  }
0xaa: {  	[dreg:$0x4] =	wrdreg $0xC0  }
0xab: {  	_ =	task [dreg:s6], $0x5FFFF  }
0xac: {  	[dreg:$0x1] =	wrdreg $0xFFFFFFFF  }
0xad: {  	[dreg:$0x0] =	wrdreg $0x60  }
0xae: {  	[dreg:$0x2] =	wrdreg s24  }
0xaf: {  	[dreg:$0x3] =	wrdreg $0x41000  }
0xb0: {  	[dreg:$0x4] =	wrdreg $0x9  }
0xb1: {  	_ =	task.clear_ibuf [dreg:s6], $0x5FFFF;
	_ =	strace $0x90000049  }
0xb2: {  	s29 =	simm.s32 $0x9;
	_ =	strace $0x8000004B  }
0xb3: {  	_ =	swait.ge [sflag:s29], $0x1  }
0xb4: {  	[sflag:s29] =	ssyncadd.s32 $0xFFFFFFFF  }
0xb5: {  	_ =	strace $0x9000004B  }
0xb6: {  	_ =	sfence  }
0xb7: {  	s30 =	sld [smem:$0x0];
	_ =	sdelay $0x2  }
0xb8: {  	s31 =	sshll.u32 s1, $0xD;
	s1 =	sshrl.u32 s1, $0x2  }
0xb9: {  	s3 =	sand.u32 $0x4000, s31;
	s1 =	sadd.s32 s1, s30  }
0xba: {  	s0 =	sor.u32 s3, s0;
	s1 =	sshll.u32 s1, $0x11  }
0xbb: {  	s0 =	sor.u32 s1, s0  }
0xbc: {  	s0 =	sadd.s32 $0x8F2B, s0  }
0xbd: {  	[sflag:s0] =	ssyncadd.remote.s32 $0x1  }
0xbe: {  	_ =	sfence.sel $0xFFFF  }
0xbf: {  	[dreg:$0x0] =	wrdreg $0xFFFFFFFF;
	(pc) =	sbr.abs _section_cstart, $3  }
0xc0: {  	[dreg:$0x1] =	wrdreg $0xFFFFFFFF  }
0xc1: {  	_ =	task.clear_ibuf [dreg:s6], $0x2FFFF;
	_ =	strace $0x9FFFFFFF  }
0xc2: {  	(tm) =	ssettm $0x7FFFFFFF  }
0xc3: {  	_ =	shalt  }
tec
execute0_lowered:
.L_overlay_start_1:
0x0: {  	(tag) =	ssettag $0x1  }
0x1: {  	s0 =	srdreg.scid;
	s5 =	rddreg [dreg:$0x0]  }
0x2: {  	s2 =	rddreg [dreg:$0x1];
	s1 =	stileid.u32  }
0x3: {  	s3 =	simm.s32 $0x0;
	s10 =	sand.u32 $0x1, s0;
	s0 =	rddreg [dreg:$0x2]  }
0x4: {  	[smem:$0x7FF] =	sst s3;
	s7 =	smul.u32 $0x4F000, s1;
	s13 =	sadd.s32 $0x2E00, s5  }
0x5: {  	s15 =	sshll.u32 s1, $0x7;
	s31 =	sshll.u32 s1, $0x6;
	s4 =	sshll.u32 s10, $0x4  }
0x6: {  	_ =	strace $0x8000004A;
	s8 =	ssub.s32 $0x2, s10;
	s14 =	smul.u32 $0x4E200, s10  }
0x7: {  	s29 =	smul.u32 $0x2710, s10;
	s4 =	sor.u32 s1, s4;
	s26 =	sshrl.u32 s8, $0x1  }
0x8: {  	s28 =	sshrl.u32 s7, $0x2;
	s6 =	smul.u32 $0x2780, s4;
	s4 =	sadd.s32 $0x16800, s5  }
0x9: {  	s12 =	ssub.s32 s8, s26;
	s14 =	sadd.s32 s15, s14;
	s15 =	sor.u32 $0x1C01, s31  }
0xa: {  	s16 =	sadd.s32 $0x27100, s14;
	s11 =	sadd.s32 s6, s5;
	s5 =	sadd.s32 s28, s2  }
0xb: {  	s14 =	sshrl.u32 s14, $0x3;
	s30 =	sshrl.u32 s16, $0x3;
	s6 =	sadd.s32 $0x4000, s5  }
0xc: {  	s7 =	sadd.s32 $0x8000, s5;
	s8 =	sadd.s32 $0xC000, s5;
	s9 =	sadd.s32 $0x10000, s5  }
0xd: {  	s10 =	sadd.s32 $0x64A00, s11;
	s11 =	smax.u32 s12, $0x1;
	s12 =	sadd.s32 s30, s13  }
0xe: {  	v1 =	vimm.f32 $0.0e+00;
	v0 =	vmov s29;
	s13 =	sadd.s32 s14, s13;
	s14 =	simm.s32 $0x1;
	s16 =	sshrl.u32 s5, $0x3  }
.LBB2_1:
0xf: {  	s17 =	simm.s32 $0x0;
	s18 =	simm.s32 $0x200  }
.LBB2_2:
0x10: {  	p0 =	sne.s32 s18, $0xFE00;
	[tilespmem:s17+$0x70] =	vst v1  }
0x11: {  	[tilespmem:s17+$0x0] =	vst v1  }
0x12: {  	[tilespmem:s17+$0x10] =	vst v1  }
.Ltmp0:
0x13: {  	[tilespmem:s17+$0x20] =	vst v1;
	(pc) =	sbr.rel @p0 .LBB2_2-.Ltmp0, $4  }
0x14: {  	[tilespmem:s17+$0x30] =	vst v1  }
0x15: {  	[tilespmem:s17+$0x40] =	vst v1  }
0x16: {  	[tilespmem:s17+$0x50] =	vst v1  }
0x17: {  	[tilespmem:s17+$0x60] =	vst v1;
	s17 =	sshra.s32 s18, $0x2;
	s18 =	sadd.s32 $0x200, s18  }
0x18: {  	[tilespmem:s17+$0x70] =	vst v1  }
0x19: {  	[tilespmem:s17+$0x0] =	vst v1  }
0x1a: {  	[tilespmem:s17+$0x10] =	vst v1  }
0x1b: {  	[tilespmem:s17+$0x20] =	vst v1  }
0x1c: {  	[tilespmem:s17+$0x30] =	vst v1  }
0x1d: {  	[tilespmem:s17+$0x40] =	vst v1  }
0x1e: {  	[tilespmem:s17+$0x50] =	vst v1  }
0x1f: {  	[tilespmem:s17+$0x60] =	vst v1;
	s31 =	simm.s32 $0x0  }
0x20: {  	[spmem:s5] =	stream.linear.scatter [tilespmem:s31], [sflag:$0x1], $0x4000, $0x38;
	[tilespmem:$0x17D00] =	vst v63  }
0x21: {  	_ =	swait.ge [sflag:s14], $0x4000  }
0x22: {  	[sflag:s14] =	ssyncset.done $0x0  }
0x23: {  	[sflag:s14] =	ssyncadd.s32 $0xFFFFC000  }
0x24: {  	[spmem:s6] =	stream.linear.scatter [tilespmem:s31], [sflag:$0x1], $0x4000, $0x38;
	[tilespmem:$0x17D00] =	vst v63  }
0x25: {  	_ =	swait.ge [sflag:s14], $0x4000  }
0x26: {  	[sflag:s14] =	ssyncset.done $0x0  }
0x27: {  	[sflag:s14] =	ssyncadd.s32 $0xFFFFC000  }
0x28: {  	[spmem:s7] =	stream.linear.scatter [tilespmem:s31], [sflag:$0x1], $0x4000, $0x38;
	[tilespmem:$0x17D00] =	vst v63  }
0x29: {  	_ =	swait.ge [sflag:s14], $0x4000  }
0x2a: {  	[sflag:s14] =	ssyncset.done $0x0  }
0x2b: {  	[sflag:s14] =	ssyncadd.s32 $0xFFFFC000  }
0x2c: {  	[spmem:s8] =	stream.linear.scatter [tilespmem:s31], [sflag:$0x1], $0x4000, $0x38;
	[tilespmem:$0x17D00] =	vst v63  }
0x2d: {  	_ =	swait.ge [sflag:s14], $0x4000  }
0x2e: {  	[sflag:s14] =	ssyncset.done $0x0  }
0x2f: {  	[sflag:s14] =	ssyncadd.s32 $0xFFFFC000  }
0x30: {  	[spmem:s9] =	stream.linear.scatter [tilespmem:s31], [sflag:$0x1], $0x3C00, $0x38;
	[tilespmem:$0x17D00] =	vst v63  }
0x31: {  	p0 =	sgt.u32 s1, $0x4E1;
	_ =	swait.ge [sflag:s14], $0x3C00  }
0x32: {  	s20 =	sadd.s32 @!p0 $0x0, s13;
	[sflag:s14] =	ssyncset.done $0x0  }
0x33: {  	s17 =	simm.s32 @!p0 $0x0;
	s19 =	simm.s32 @!p0 $0x4000;
	[sflag:s14] =	ssyncadd.s32 $0xFFFFC400  }
0x34: {  	s18 =	simm.s32 @!p0 $0x2;
	p0 =	por p0, p0;
	[bflag:$0x0] =	sbarrier.arrive $0xFFFF  }
0x35: {  	[tilespmem:s19], [sflag:$0x2] =	stream.linear.gather @!p0 [hbm4b:s20+s17], $0x80, $0x38;
	[tilespmem:$0x17D00] =	vst v63  }
0x36: {  	_ =	swait.ge @!p0 [sflag:s18], $0x80  }
0x37: {  	[sflag:s18] =	ssyncset.done @!p0 $0x0  }
0x38: {  	s21 =	sadd.s32 @!p0 $0x0, s12;
	s20 =	simm.s32 @!p0 $0x4080;
	[sflag:s18] =	ssyncadd.s32 @!p0 $0xFFFFFF80  }
0x39: {  	[tilespmem:s20], [sflag:$0x2] =	stream.linear.gather @!p0 [hbm4b:s21+s17], $0x80, $0x38;
	[tilespmem:$0x17D00] =	vst v63  }
0x3a: {  	_ =	swait.ge @!p0 [sflag:s18], $0x80  }
0x3b: {  	[sflag:s18] =	ssyncset.done @!p0 $0x0  }
0x3c: {  	[sflag:s18] =	ssyncadd.s32 @!p0 $0xFFFFFF80  }
0x3d: {  	v4 =	vld @!p0 [tilespmem:$0x4070]  }
0x3e: {  	v2 =	vld @!p0 [tilespmem:$0x4050]  }
0x3f: {  	s22 =	stileid.u32;
	s21 =	simm.s32 $0x100;
	v3 =	vld @!p0 [tilespmem:$0x4030]  }
.LBB2_4:
0x40: {  	v5 =	vld @!p0 [tilespmem:$0x4000];
	s22 =	sadd.s32 $0x10, s22;
	s23 =	smov.u32 s21;
	s21 =	sadd.s32 $0x100, s21  }
0x41: {  	p1 =	sne.s32 s21, $0x4F00;
	v6 =	vld @!p0 [tilespmem:$0x4040]  }
0x42: {  	v7 =	vld @!p0 [tilespmem:$0x4010];
	v4 =	vadd.s32 @!p0 v0, v4  }
0x43: {  	v8 =	vld @!p0 [tilespmem:$0x4020];
	[tilespmem:$0x4070] =	vst @!p0 v4  }
0x44: {  	v3 =	vadd.s32 @!p0 v0, v3;
	v4 =	vld @!p0 [tilespmem:$0x4060]  }
0x45: {  	v5 =	vadd.s32 @!p0 v0, v5;
	[tilespmem:$0x4030] =	vst @!p0 v3  }
0x46: {  	[tilespmem:$0x4000] =	vst @!p0 v5;
	v3 =	vadd.s32 @!p0 v0, v6  }
0x47: {  	v2 =	vadd.s32 @!p0 v0, v2;
	v5 =	vadd.s32 @!p0 v0, v7;
	[tilespmem:$0x4040] =	vst @!p0 v3  }
0x48: {  	[tilespmem:$0x4010] =	vst @!p0 v5;
	v3 =	vadd.s32 @!p0 v0, v8  }
0x49: {  	[tilespmem:$0x4020] =	vst @!p0 v3;
	v3 =	vadd.s32 @!p0 v0, v4  }
0x4a: {  	[tilespmem:$0x4060] =	vst @!p0 v3  }
0x4b: {  	s24 =	simm.s32 @!p0 $0x80;
	[tilespmem:$0x4050] =	vst @!p0 v2  }
0x4c: {  	[tilespmem:s17], [sflag:$0x2] =	stream.indirect.gather @!p0 [hbm4b:s4+s24], $0x80, s19, s24, $0xb8;
	[tilespmem:$0x17D00] =	vst v63  }
0x4d: {  	_ =	swait.ge @!p0 [sflag:s18], $0x4000  }
0x4e: {  	[sflag:s18] =	ssyncset.done @!p0 $0x0  }
0x4f: {  	s25 =	simm.s32 @!p0 $0x1;
	p2 =	sgt.u32 s22, $0x4E1;
	[sflag:s18] =	ssyncadd.s32 @!p0 $0xFFFFC000  }
0x50: {  	[spmem:s2] =	stream.indirect.scatter.add.f32 @!p0 [tilespmem:s17], [sflag:$0x1], $0x80, s20, s24, $0xb8;
	[tilespmem:$0x17D00] =	vst v63  }
0x51: {  	s20 =	sadd.s32 @!p2 s23, s13;
	s17 =	simm.s32 @!p2 $0x0;
	_ =	swait.ge @!p0 [sflag:s25], $0x4000  }
0x52: {  	s19 =	simm.s32 @!p2 $0x4000;
	s18 =	simm.s32 @!p2 $0x2;
	[sflag:s25] =	ssyncset.done @!p0 $0x0  }
0x53: {  	[sflag:s25] =	ssyncadd.s32 @!p0 $0xFFFFC000;
	p0 =	por p2, p2  }
0x54: {  	[tilespmem:s19], [sflag:$0x2] =	stream.linear.gather @!p0 [hbm4b:s20+s17], $0x80, $0x38;
	[tilespmem:$0x17D00] =	vst v63  }
0x55: {  	_ =	swait.ge @!p0 [sflag:s18], $0x80  }
0x56: {  	s23 =	sadd.s32 @!p0 s23, s12;
	s20 =	simm.s32 @!p0 $0x4080;
	[sflag:s18] =	ssyncset.done @!p0 $0x0  }
0x57: {  	[sflag:s18] =	ssyncadd.s32 @!p0 $0xFFFFFF80  }
0x58: {  	[tilespmem:s20], [sflag:$0x2] =	stream.linear.gather @!p0 [hbm4b:s23+s17], $0x80, $0x38;
	[tilespmem:$0x17D00] =	vst v63  }
0x59: {  	_ =	swait.ge @!p0 [sflag:s18], $0x80  }
.Ltmp1:
0x5a: {  	[sflag:s18] =	ssyncset.done @!p0 $0x0;
	(pc) =	sbr.rel @p1 .LBB2_4-.Ltmp1, $4  }
0x5b: {  	[sflag:s18] =	ssyncadd.s32 @!p0 $0xFFFFFF80  }
0x5c: {  	v4 =	vld @!p0 [tilespmem:$0x4070]  }
0x5d: {  	v2 =	vld @!p0 [tilespmem:$0x4050]  }
0x5e: {  	v3 =	vld @!p0 [tilespmem:$0x4030]  }
0x5f: {  	v5 =	vld @!p0 [tilespmem:$0x4000]  }
0x60: {  	v6 =	vld @!p0 [tilespmem:$0x4040]  }
0x61: {  	v7 =	vld @!p0 [tilespmem:$0x4010];
	v4 =	vadd.s32 @!p0 v0, v4  }
0x62: {  	v8 =	vld @!p0 [tilespmem:$0x4020];
	[tilespmem:$0x4070] =	vst @!p0 v4;
	v2 =	vadd.s32 @!p0 v0, v2  }
0x63: {  	v4 =	vld @!p0 [tilespmem:$0x4060];
	v3 =	vadd.s32 @!p0 v0, v3;
	[tilespmem:$0x4050] =	vst @!p0 v2  }
0x64: {  	v5 =	vadd.s32 @!p0 v0, v5;
	[tilespmem:$0x4030] =	vst @!p0 v3  }
0x65: {  	v3 =	vadd.s32 @!p0 v0, v6;
	[tilespmem:$0x4000] =	vst @!p0 v5  }
0x66: {  	v5 =	vadd.s32 @!p0 v0, v7;
	[tilespmem:$0x4040] =	vst @!p0 v3  }
0x67: {  	v3 =	vadd.s32 @!p0 v0, v8;
	[tilespmem:$0x4010] =	vst @!p0 v5  }
0x68: {  	[tilespmem:$0x4020] =	vst @!p0 v3;
	v3 =	vadd.s32 @!p0 v0, v4  }
0x69: {  	s21 =	simm.s32 @!p0 $0x80;
	[tilespmem:$0x4060] =	vst @!p0 v3  }
0x6a: {  	[tilespmem:s17], [sflag:$0x2] =	stream.indirect.gather @!p0 [hbm4b:s4+s21], $0x80, s19, s21, $0xb8;
	[tilespmem:$0x17D00] =	vst v63  }
0x6b: {  	_ =	swait.ge @!p0 [sflag:s18], $0x4000  }
0x6c: {  	[sflag:s18] =	ssyncset.done @!p0 $0x0  }
0x6d: {  	[sflag:s18] =	ssyncadd.s32 @!p0 $0xFFFFC000;
	s18 =	simm.s32 @!p0 $0x1  }
0x6e: {  	[spmem:s2] =	stream.indirect.scatter.add.f32 @!p0 [tilespmem:s17], [sflag:$0x1], $0x80, s20, s21, $0xb8;
	[tilespmem:$0x17D00] =	vst v63  }
0x6f: {  	_ =	swait.ge @!p0 [sflag:s18], $0x4000  }
0x70: {  	s3 =	sadd.s32 $0x1, s3;
	[sflag:s18] =	ssyncset.done @!p0 $0x0  }
0x71: {  	[sflag:s18] =	ssyncadd.s32 @!p0 $0xFFFFC000;
	p0 =	sne.s32 s3, s11  }
.Ltmp2:
0x72: {  	[bflag:$0x0] =	sbarrier.arrive $0xFFFF;
	(pc) =	sbr.rel @p0 .LBB2_1-.Ltmp2, $4  }
0x73: {  	[hbm:s10], [sflag:s15] =	dma.local [spmem:s16], $0x2780  }
0x74: {  	_ =	swait.ge [sflag:s14], $0x2780  }
0x75: {  	[sflag:s14] =	ssyncset.done $0x0  }
0x76: {  	[sflag:s14] =	ssyncadd.s32 $0xFFFFD880  }
0x77: {  	_ =	sfence.sel $0x180000  }
0x78: {  	[bflag:$0x0] =	sbarrier.arrive $0xFFFF  }
0x79: {  	p0 =	sne.s32 s1, $0x0;
	_ =	strace $0x9000004A  }
0x7a: {  	s0 =	sadd.s32 @!p0 $0x100000, s0;
	[bflag:$0x2] =	sbarrier.arrive $0xFFFF  }
0x7b: {  	[sflag:s0] =	ssyncadd.tile.s32 @!p0 $0x1;
	_ =	shalt  }
.Lfunc_end2:
_tile_overlayer_lowered:
.L_overlay_start_2:
0x7c: {  	(tag) =	ssettag $0x2  }
0x7d: {  	s0 =	rddreg [dreg:$0x0];
	s2 =	stileid.u32  }
0x7e: {  	s1 =	rddreg [dreg:$0x1];
	p0 =	sne.s32 s2, $0x0  }
0x7f: {  	s3 =	rddreg [dreg:$0x2];
	[bflag:$0x3] =	sbarrier.arrive $0xFFFF;
	s2 =	simm.s32 @!p0 $0x1C01  }
0x80: {  	[timem:s3], [sflag:s2] =	dma.local @!p0 [hbm:s0], s1  }
0x81: {  	s0 =	simm.s32 @!p0 $0x1  }
0x82: {  	_ =	swait.ge @!p0 [sflag:s0], s1  }
0x83: {  	s1 =	ssub.s32 @!p0 $0x0, s1;
	[sflag:s0] =	ssyncset.done @!p0 $0x0  }
0x84: {  	[sflag:s0] =	ssyncadd.s32 @!p0 s1  }
0x85: {  	[bflag:$0x3] =	sbarrier.arrive $0xFFFF  }
0x86: {  	_ =	shalt  }

// kernel: kernel.9.cloned.1.call-start
scs
__scs_entry_jumppad:
0x0: {  	(pc) =	sbr.rel $0x88, $3  }
0x1: {  	(tag) =	ssettag $0x0;
	lr =	simm.s32 $0x1  }
0x2: {  	[smem:$0x3F93] =	sst lr;
	_ =	strace $0xD0000000  }
0x3: {  	_ = 	snop  }
0x4: {  	_ = 	snop  }
0x5: {  	_ = 	snop  }
0x6: {  	_ = 	snop  }
0x7: {  	_ = 	snop  }
__scs_overlays_trampoline_lowered:
0x8: {  	[smem:$0x3FA2] =	sst s0  }
0x9: {  	[smem:$0x3FA3] =	sst s1  }
0xa: {  	[smem:$0x3FA4] =	sst s2  }
0xb: {  	[smem:$0x3FA5] =	sst s3  }
0xc: {  	[smem:$0x3FA6] =	sst s4  }
0xd: {  	[smem:$0x3FA7] =	sst s5  }
0xe: {  	[smem:$0x3FA8] =	sst s6  }
0xf: {  	[smem:$0x3FA9] =	sst s7  }
0x10: {  	[smem:$0x3FAA] =	sst s8  }
0x11: {  	[smem:$0x3FAB] =	sst s9;
	s0 =	simm.s32 @!p0 $0x0  }
0x12: {  	s1 =	sld [smem:$0x3F91];
	s0 =	simm.s32 @p0 $0x1  }
0x13: {  	[smem:$0x3FAC] =	sst s0;
	s0 =	simm.s32 @!p1 $0x0  }
0x14: {  	s2 =	sld [smem:$0x3F90];
	s0 =	simm.s32 @p1 $0x1  }
0x15: {  	[smem:$0x3FAD] =	sst s0;
	s0 =	simm.s32 @!p2 $0x0  }
0x16: {  	s3 =	sld [smem:$0x3FDB];
	s0 =	simm.s32 @p2 $0x1  }
0x17: {  	s4 =	simm.s32 $0x1BF5;
	[smem:$0x3FAF] =	sst s0  }
0x18: {  	s0 =	sld [smem:$0x3F92];
	_ =	swait.ge [sflag:s4], $0x0  }
0x19: {  	s7 =	sld [smem:$0x3F93]  }
0x1a: {  	s8 =	sadd.s32 $0xFFFFE003, lr  }
0x1b: {  	s9 =	sadd.s32 $0xFFFFFEF7, lr;
	s5 =	simm.s32 $0xFFFFFFFF;
	p2 =	slt.u32 s8, $0xFFFFF086  }
0x1c: {  	p1 =	slt.u32 s9, $0xF7A;
	s5 =	simm.s32 @!p2 $0x0  }
0x1d: {  	s5 =	simm.s32 @p1 $0x1;
	p0 =	seq.s32 s7, s2  }
0x1e: {  	s7 =	smul.u32 @!p0 $0xF7A, s2;
	p2 =	seq.s32 @!p0 s5, $0x0  }
0x1f: {  	s9 =	smul.u32 $0xF7A, s1;
	s8 =	simm.s32 @!p0 $0x1BF5;
	p2 =	por !p2, p0  }
0x20: {  	[sflag:s8] =	ssyncset.s32 @!p0 $0xFFFFF086;
	s6 =	sadd.s32 @!p0 s3, s7;
	s7 =	simm.s32 @!p0 $0x108  }
0x21: {  	s3 =	sadd.s32 s3, s9;
	s6 =	sadd.s32 @!p0 $0x88, s6;
	s7 =	simm.s32 @p2 $0x1082  }
0x22: {  	[simem:s7], [sflag:s8] =	dma.local @!p0 [hbm:s6], $0xF7A  }
0x23: {  	s9 =	sor.u32 $0xD0000000, s2;
	s6 =	simm.s32 $0x108;
	_ =	swait.ge @!p0 [sflag:s8], $0x0  }
0x24: {  	s3 =	sadd.s32 $0x88, s3;
	s6 =	simm.s32 @!p1 $0x1082;
	[sflag:s4] =	ssyncset.s32 $0xFFFFF086  }
0x25: {  	[simem:s6], [sflag:s4] =	dma.local [hbm:s3], $0xF7A  }
0x26: {  	[smem:$0x3F93] =	sst s1;
	(tag) =	ssettag s2;
	_ =	strace s9  }
0x27: {  	s1 =	sld [smem:$0x3FA3]  }
0x28: {  	s2 =	sld [smem:$0x3FA4]  }
0x29: {  	s4 =	sld [smem:$0x3FA6]  }
0x2a: {  	p0 =	seq.s32 s5, $0x0;
	s5 =	sld [smem:$0x3FA7]  }
0x2b: {  	s6 =	sld [smem:$0x3FA8]  }
0x2c: {  	s7 =	sld [smem:$0x3FA9]  }
0x2d: {  	s3 =	simm.s32 $0x108;
	s8 =	sld [smem:$0x3FAA]  }
0x2e: {  	s3 =	simm.s32 @!p0 $0x1082;
	s9 =	sld [smem:$0x3FAB]  }
0x2f: {  	lr =	sadd.s32 s0, s3;
	s0 =	sld [smem:$0x3FA2]  }
0x30: {  	s3 =	sld [smem:$0x3FA5]  }
0x31: {  	[smem:$0x3FAE] =	sst s10  }
0x32: {  	s10 =	sld [smem:$0x3FAC];
	_ =	sdelay $0x3  }
0x33: {  	p0 =	seq.s32 s10, $0x1;
	s10 =	sld [smem:$0x3FAE];
	_ =	sdelay $0x3  }
0x34: {  	[smem:$0x3FAE] =	sst s10  }
0x35: {  	s10 =	sld [smem:$0x3FAD];
	_ =	sdelay $0x3  }
0x36: {  	p1 =	seq.s32 s10, $0x1;
	s10 =	sld [smem:$0x3FAE];
	_ =	sdelay $0x3  }
0x37: {  	[smem:$0x3FAE] =	sst s10  }
0x38: {  	s10 =	sld [smem:$0x3FAF]  }
0x39: {  	_ = 	snop;
	(pc) =	sbr.ind lr, $3  }
0x3a: {  	_ = 	snop  }
0x3b: {  	_ = 	snop  }
0x3c: {  	p2 =	seq.s32 s10, $0x1;
	s10 =	sld [smem:$0x3FAE]  }
0x3d: {  	_ =	shalt  }
0x3e: {  	_ =	shalt  }
0x3f: {  	_ =	shalt  }
0x40: {  	_ =	shalt  }
0x41: {  	_ =	shalt  }
0x42: {  	_ =	shalt  }
0x43: {  	_ =	shalt  }
0x44: {  	_ =	shalt  }
0x45: {  	_ =	shalt  }
0x46: {  	_ =	shalt  }
0x47: {  	_ =	shalt  }
0x48: {  	_ =	shalt  }
0x49: {  	_ =	shalt  }
0x4a: {  	_ =	shalt  }
0x4b: {  	_ =	shalt  }
0x4c: {  	_ =	shalt  }
0x4d: {  	_ =	shalt  }
0x4e: {  	_ =	shalt  }
0x4f: {  	_ =	shalt  }
0x50: {  	_ =	shalt  }
0x51: {  	_ =	shalt  }
0x52: {  	_ =	shalt  }
0x53: {  	_ =	shalt  }
0x54: {  	_ =	shalt  }
0x55: {  	_ =	shalt  }
0x56: {  	_ =	shalt  }
0x57: {  	_ =	shalt  }
0x58: {  	_ =	shalt  }
0x59: {  	_ =	shalt  }
0x5a: {  	_ =	shalt  }
0x5b: {  	_ =	shalt  }
0x5c: {  	_ =	shalt  }
0x5d: {  	_ =	shalt  }
0x5e: {  	_ =	shalt  }
0x5f: {  	_ =	shalt  }
0x60: {  	_ =	shalt  }
0x61: {  	_ =	shalt  }
0x62: {  	_ =	shalt  }
0x63: {  	_ =	shalt  }
0x64: {  	_ =	shalt  }
0x65: {  	_ =	shalt  }
0x66: {  	_ =	shalt  }
0x67: {  	_ =	shalt  }
0x68: {  	_ =	shalt  }
0x69: {  	_ =	shalt  }
0x6a: {  	_ =	shalt  }
0x6b: {  	_ =	shalt  }
0x6c: {  	_ =	shalt  }
0x6d: {  	_ =	shalt  }
0x6e: {  	_ =	shalt  }
0x6f: {  	_ =	shalt  }
0x70: {  	_ =	shalt  }
0x71: {  	_ =	shalt  }
0x72: {  	_ =	shalt  }
0x73: {  	_ =	shalt  }
0x74: {  	_ =	shalt  }
0x75: {  	_ =	shalt  }
0x76: {  	_ =	shalt  }
0x77: {  	_ =	shalt  }
0x78: {  	_ =	shalt  }
0x79: {  	_ =	shalt  }
0x7a: {  	_ =	shalt  }
0x7b: {  	_ =	shalt  }
0x7c: {  	_ =	shalt  }
0x7d: {  	_ =	shalt  }
0x7e: {  	_ =	shalt  }
0x7f: {  	_ =	shalt  }
0x80: {  	_ =	shalt  }
0x81: {  	_ =	shalt  }
0x82: {  	_ =	shalt  }
0x83: {  	_ =	shalt  }
0x84: {  	_ =	shalt  }
0x85: {  	_ =	shalt  }
0x86: {  	_ =	shalt  }
0x87: {  	_ =	shalt  }
.Lfunc_end0:
.L_simem_size_0:
called_computation_lowered:
.L_overlay_start_0:
0x88: {  	s2 =	sld [smem:$0x3FD9]  }
0x89: {  	s3 =	sld [smem:$0x3FFE];
	_ =	sdelay $0x1  }
0x8a: {  	s1 =	srdreg.scid  }
0x8b: {  	s0 =	sand.u32 $0x1, s1  }
0x8c: {  	s16 =	sshll.u32 s0, $0xA;
	s2 =	sadd.s32 s3, s2  }
0x8d: {  	s2 =	sadd.s32 s2, s16  }
0x8e: {  	[smem:$0x3FBA] =	sst s2  }
0x8f: {  	_ = 	snop  }
0x90: {  	(tm) =	ssettm $0x1  }
0x91: {  	s17 =	sld [smem:$0x3FFB];
	_ =	sdelay $0x3  }
0x92: {  	_ =	strace s17  }
0x93: {  	s2 =	sld [smem:$0x3FFC];
	_ =	sdelay $0x3  }
0x94: {  	_ =	strace s2  }
0x95: {  	s2 =	sld [smem:$0x3FFD];
	_ =	sdelay $0x3  }
0x96: {  	_ =	strace s2  }
0x97: {  	_ =	strace $0x8FFFFFFF  }
0x98: {  	s18 =	sld [smem:$0x3FDB];
	_ =	sdelay $0x1  }
0x99: {  	s19 =	simm.s32 $_scs_section_size  }
0x9a: {  	s4 =	simm.s32 $_size__tile_overlayer_lowered;
	s5 =	simm.s32 $_tile_overlayer_lowered  }
0x9b: {  	s22 =	simm.s32 $0x1BFF;
	s21 =	sshll.u32 s5, $0x1;
	s2 =	sadd.s32 s19, s18  }
0x9c: {  	s6 =	simm.s32 $0x0;
	s20 =	sshll.u32 s4, $0x1;
	s4 =	sadd.s32 s21, s2  }
0x9d: {  	[timem:s6], [sflag:s22] =	dma.local [hbm:s4], s20  }
0x9e: {  	_ =	swait.ge [sflag:s22], s20  }
0x9f: {  	s3 =	ssub.s32 $0x0, s20;
	[sflag:s22] =	ssyncset.done $0x0  }
0xa0: {  	[sflag:s22] =	ssyncadd.s32 s3;
	_ =	sdelay $0x1  }
0xa1: {  	s23 =	simm.s32 $0x1B8B  }
0xa2: {  	_ =	swait.ge [sflag:s23], $0x1  }
0xa3: {  	[sflag:s23] =	ssyncset.done $0x0  }
0xa4: {  	s25 =	simm.s32 $0x1B8E;
	s24 =	sld [smem:$0x3FFE];
	[sflag:s23] =	ssyncadd.s32 $0xFFFFFFFF  }
0xa5: {  	s26 =	simm.s32 $execute0_lowered;
	[smem:$0x3FD2] =	sst s25  }
0xa6: {  	s4 =	sshll.u32 s26, $0x1;
	_ =	strace $0x80000046;
	[dreg:$0x1] =	wrdreg $0xFFFFFFFF  }
0xa7: {  	s28 =	simm.s32 $_size_execute0_lowered;
	s2 =	sadd.s32 s2, s4;
	[dreg:$0x0] =	wrdreg $0x0  }
0xa8: {  	s4 =	sshll.u32 s28, $0x1;
	[dreg:$0x2] =	wrdreg s2  }
0xa9: {  	[dreg:$0x3] =	wrdreg s4  }
0xaa: {  	[dreg:$0x4] =	wrdreg $0xC0  }
0xab: {  	_ =	task [dreg:s6], $0x5FFFF  }
0xac: {  	[dreg:$0x1] =	wrdreg $0xFFFFFFFF  }
0xad: {  	[dreg:$0x0] =	wrdreg $0x60  }
0xae: {  	[dreg:$0x2] =	wrdreg s24  }
0xaf: {  	[dreg:$0x3] =	wrdreg $0x9  }
0xb0: {  	_ =	task.clear_ibuf [dreg:s6], $0x4FFFF;
	_ =	strace $0x90000046  }
0xb1: {  	s29 =	simm.s32 $0x9;
	_ =	strace $0x80000048  }
0xb2: {  	_ =	swait.ge [sflag:s29], $0x1  }
0xb3: {  	[sflag:s29] =	ssyncadd.s32 $0xFFFFFFFF  }
0xb4: {  	_ =	strace $0x90000048  }
0xb5: {  	_ =	sfence  }
0xb6: {  	s30 =	sld [smem:$0x0];
	_ =	sdelay $0x2  }
0xb7: {  	s31 =	sshll.u32 s1, $0xD;
	s1 =	sshrl.u32 s1, $0x2  }
0xb8: {  	s3 =	sand.u32 $0x4000, s31;
	s1 =	sadd.s32 s1, s30  }
0xb9: {  	s0 =	sor.u32 s3, s0;
	s1 =	sshll.u32 s1, $0x11  }
0xba: {  	s0 =	sor.u32 s1, s0  }
0xbb: {  	s0 =	sadd.s32 $0x8F2B, s0  }
0xbc: {  	[sflag:s0] =	ssyncadd.remote.s32 $0x1  }
0xbd: {  	_ =	sfence.sel $0xFFFF  }
0xbe: {  	[dreg:$0x0] =	wrdreg $0xFFFFFFFF;
	(pc) =	sbr.abs _section_cstart, $3  }
0xbf: {  	[dreg:$0x1] =	wrdreg $0xFFFFFFFF  }
0xc0: {  	_ =	task.clear_ibuf [dreg:s6], $0x2FFFF;
	_ =	strace $0x9FFFFFFF  }
0xc1: {  	(tm) =	ssettm $0x7FFFFFFF  }
tec
execute0_lowered:
.L_overlay_start_1:
0x0: {  	(tag) =	ssettag $0x1  }
0x1: {  	s0 =	srdreg.scid  }
0x2: {  	s6 =	rddreg [dreg:$0x0];
	s3 =	sand.u32 $0x1, s0  }
0x3: {  	s7 =	simm.s32 $0x1;
	s0 =	stileid.u32;
	s1 =	sshll.u32 s3, $0x4  }
0x4: {  	s2 =	simm.s32 $0x0;
	s5 =	sand.u32 $0x7, s0;
	s4 =	sor.u32 s0, s1  }
0x5: {  	[smem:$0x7FF] =	sst s2;
	p1 =	sne.s32 s5, $0x0;
	p0 =	seq.s32 s4, $0x0  }
0x6: {  	s31 =	ssub.s32 $0x2, s3;
	s3 =	sadd.s32 $0x2E00, s6;
	p0 =	por !p1, !p0  }
0x7: {  	s1 =	rddreg [dreg:$0x1];
	_ =	strace $0x80000047;
	p0 =	por !p0, !p0  }
0x8: {  	s8 =	sshrl.u32 s4, $0x3;
	s4 =	smul.u32 $0x4F0, s4;
	s7 =	simm.s32 @!p0 $0x0  }
0x9: {  	s9 =	sshrl.u32 s31, $0x1;
	s5 =	smul.u32 $0x4E20, s5;
	s7 =	ssub.s32 s8, s7  }
0xa: {  	s6 =	sadd.s32 s4, s6;
	s4 =	simm.s32 $0x1;
	s7 =	smul.u32 $0x27100, s7  }
0xb: {  	s6 =	sadd.s32 $0x16800, s6;
	s8 =	ssub.s32 s31, s9;
	s9 =	simm.s32 $0x0  }
0xc: {  	v0 =	vimm.f32 $0.0e+00;
	v1 =	vimm.f32 $1.000000000e+00;
	s5 =	sadd.s32 s5, s7;
	s7 =	smax.u32 s8, $0x1;
	s8 =	simm.s32 $0x2780  }
.LBB2_1:
0xd: {  	s10 =	simm.s32 $0x40;
	s11 =	simm.s32 $0x0  }
.LBB2_2:
0xe: {  	p0 =	sne.s32 s10, $0x9C00;
	[tilespmem:s11+$0x0] =	vst v0;
	s11 =	smov.u32 s10;
	s10 =	sadd.s32 $0x40, s10  }
.Ltmp0:
0xf: {  	(pc) =	sbr.rel @p0 .LBB2_2-.Ltmp0, $2  }
0x10: {  	_ =	sdelay $0x2  }
0x11: {  	s11 =	sshra.s32 s11, $0x2  }
0x12: {  	[tilespmem:s11+$0x0] =	vst v0;
	s10 =	simm.s32 $0x0;
	s11 =	simm.s32 $0x0  }
.LBB2_4:
0x13: {  	s12 =	smul.u32 $0x7D0, s11;
	_ =	sdelay $0x1  }
0x14: {  	s12 =	sadd.s32 s12, s5  }
0x15: {  	s12 =	sshrl.u32 s12, $0x3  }
0x16: {  	s12 =	sadd.s32 s3, s12  }
0x17: {  	[tilespmem:s8], [sflag:$0x1] =	stream.linear.gather [hbm4b:s12+s10], $0x7D0, $0x38;
	[tilespmem:$0x2F80] =	vst v63  }
0x18: {  	_ =	swait.ge [sflag:s4], $0x7D0  }
0x19: {  	[sflag:s4] =	ssyncset.done $0x0  }
0x1a: {  	s13 =	simm.s32 $0x0;
	s12 =	simm.s32 $0x40;
	[sflag:s4] =	ssyncadd.s32 $0xFFFFF830  }
.LBB2_5:
0x1b: {  	p0 =	sne.s32 s12, $0x1F00;
	v2 =	vld [tilespmem:s13+$0x2780];
	_ =	sdelay $0x3  }
.Ltmp1:
0x1c: {  	(pc) =	sbr.rel @p0 .LBB2_5-.Ltmp1, $2  }
0x1d: {  	_ =	sdelay $0x2  }
0x1e: {  	s13 =	sshra.s32 s12, $0x2;
	s12 =	sadd.s32 $0x40, s12;
	[tilespmem:v2+s2+$0x0] =	vst.idx.add.f32.msk $0xffff, v1  }
0x1f: {  	v2 =	vld [tilespmem:s13+$0x2780];
	_ =	sdelay $0x1  }
0x20: {  	s11 =	sadd.s32 $0x1, s11  }
0x21: {  	p0 =	sne.s32 s11, $0xA  }
.Ltmp2:
0x22: {  	_ = 	snop;
	(pc) =	sbr.rel @p0 .LBB2_4-.Ltmp2, $2  }
0x23: {  	_ =	sdelay $0x2  }
0x24: {  	[tilespmem:v2+s2+$0x0] =	vst.idx.add.f32.msk $0xffff, v1  }
0x25: {  	s9 =	sadd.s32 $0x1, s9  }
0x26: {  	p0 =	sne.s32 s9, s7  }
.Ltmp3:
0x27: {  	_ = 	snop;
	(pc) =	sbr.rel @p0 .LBB2_1-.Ltmp3, $4  }
0x28: {  	[hbm4b:s6+s2] =	stream.linear.scatter [tilespmem:s2], [sflag:$0x1], $0x2780, $0x38;
	[tilespmem:$0x2F80] =	vst v63  }
0x29: {  	_ =	swait.ge [sflag:s4], $0x2780  }
0x2a: {  	[sflag:s4] =	ssyncset.done $0x0  }
0x2b: {  	[sflag:s4] =	ssyncadd.s32 $0xFFFFD880  }
0x2c: {  	_ =	sfence.sel $0x180000  }
0x2d: {  	[bflag:$0x0] =	sbarrier.arrive $0xFFFF  }
0x2e: {  	p0 =	sne.s32 s0, $0x0;
	_ =	strace $0x90000047  }
0x2f: {  	s0 =	sadd.s32 @!p0 $0x100000, s1;
	[bflag:$0x2] =	sbarrier.arrive $0xFFFF  }
0x30: {  	[sflag:s0] =	ssyncadd.tile.s32 @!p0 $0x1;
	_ =	shalt  }
.Lfunc_end2:
_tile_overlayer_lowered:
.L_overlay_start_2:
0x31: {  	(tag) =	ssettag $0x2  }
0x32: {  	s0 =	rddreg [dreg:$0x0];
	s2 =	stileid.u32  }
0x33: {  	s1 =	rddreg [dreg:$0x1];
	p0 =	sne.s32 s2, $0x0  }
0x34: {  	s3 =	rddreg [dreg:$0x2];
	[bflag:$0x3] =	sbarrier.arrive $0xFFFF;
	s2 =	simm.s32 @!p0 $0x1C01  }
0x35: {  	[timem:s3], [sflag:s2] =	dma.local @!p0 [hbm:s0], s1  }
0x36: {  	s0 =	simm.s32 @!p0 $0x1  }
0x37: {  	_ =	swait.ge @!p0 [sflag:s0], s1  }
0x38: {  	s1 =	ssub.s32 @!p0 $0x0, s1;
	[sflag:s0] =	ssyncset.done @!p0 $0x0  }
0x39: {  	[sflag:s0] =	ssyncadd.s32 @!p0 s1  }
0x3a: {  	[bflag:$0x3] =	sbarrier.arrive $0xFFFF  }
0x3b: {  	_ =	shalt  }

</sc_bundles>
